<compile_context>
chip_gen: v7x
topology: tpu7x:2x2x1
jax: 0.10.2.dev20260603
libtpu: 0.0.44.dev20260713+nightly
codegen_flags: <defaults>
</compile_context>

<pallas_src>
import functools

import jax
import jax.numpy as jnp
from jax import lax
from jax.experimental import pallas as pl
from jax.experimental.pallas import tpu as pltpu
from jax.experimental.pallas import tpu_sc as plsc

NUM_STEPS = 1000
BATCH = 16384
LANES = 16

_info = plsc.get_sparse_core_info()


def _build(num_cores):
    nw = num_cores * _info.num_subcores
    b_per_w = BATCH // nw

    @functools.partial(
        pl.kernel,
        mesh=plsc.VectorSubcoreMesh(
            core_axis_name="c", subcore_axis_name="s", num_cores=num_cores
        ),
        compiler_params=pltpu.CompilerParams(needs_layout_passes=False),
        out_type=(
            jax.ShapeDtypeStruct((BATCH,), jnp.float32),
            jax.ShapeDtypeStruct((BATCH,), jnp.float32),
        ),
        scratch_types=[
            pltpu.VMEM((NUM_STEPS,), jnp.float32),
            pltpu.VMEM((NUM_STEPS,), jnp.float32),
            pltpu.VMEM((b_per_w,), jnp.int32),
            pltpu.VMEM((b_per_w,), jnp.float32),
            pltpu.VMEM((b_per_w,), jnp.float32),
            pltpu.SemaphoreType.DMA,
            pltpu.SemaphoreType.DMA,
        ],
    )
    def _sc_lookup(beta_hbm, alpha_hbm, t_hbm, beta_out, alpha_out,
                   beta_v, alpha_v, idx_v, ob_v, oa_v, sem, sem2):
        wid = lax.axis_index("s") * num_cores + lax.axis_index("c")
        base = wid * b_per_w
        c1 = pltpu.async_copy(beta_hbm, beta_v, sem)
        c3 = pltpu.async_copy(t_hbm.at[pl.ds(base, b_per_w)], idx_v, sem)
        c2 = pltpu.async_copy(alpha_hbm, alpha_v, sem2)
        c1.wait()
        c3.wait()
        for i in range(b_per_w // LANES):
            iv = idx_v[pl.ds(i * LANES, LANES)]
            ob_v[pl.ds(i * LANES, LANES)] = plsc.load_gather(beta_v, [iv])
        c4 = pltpu.async_copy(ob_v, beta_out.at[pl.ds(base, b_per_w)], sem)
        c2.wait()
        for i in range(b_per_w // LANES):
            iv = idx_v[pl.ds(i * LANES, LANES)]
            oa_v[pl.ds(i * LANES, LANES)] = plsc.load_gather(alpha_v, [iv])
        c5 = pltpu.async_copy(oa_v, alpha_out.at[pl.ds(base, b_per_w)], sem2)
        c4.wait()
        c5.wait()

    return _sc_lookup


_lookup = _build(_info.num_cores)


def kernel(beta, alpha, t):
    return _lookup(beta, alpha, t)

# --- scband reference (transcript-rebuilt; emitter-appended) ---
"""Pipeline reference for scband-diffusion-scheduler-6313601925291 (READ-ONLY COPY).

The authoritative reference and input builder live on the scoring server;
editing this copy changes nothing except your own understanding.
"""

import jax, jax.numpy as jnp
import numpy as np

NUM_TIME_STEPS = 1000
BATCH = 16384

def setup_inputs(seed: int = 0) -> dict:
    key = jax.random.key(seed)
    beta = jnp.linspace(0.0001, 0.02, NUM_TIME_STEPS, dtype=jnp.float32)
    alpha = jnp.cumprod(1.0 - beta, axis=0)
    t = jax.random.randint(jax.random.fold_in(key, 1), (BATCH,), 0, NUM_TIME_STEPS, dtype=jnp.int32)
    return {"beta": beta, "alpha": alpha, "t": t}

def reference(beta, alpha, t):
    # Faithful translation of DiffusionScheduler.forward: (self.beta[t], self.alpha[t])
    beta_t = jnp.take(beta, t, axis=0)
    alpha_t = jnp.take(alpha, t, axis=0)
    return (beta_t, alpha_t)

if __name__ == "__main__":
    import jax
    _d = setup_inputs()
    print(jax.jit(kernel)(*tuple(_d.values())))

</pallas_src>

<mosaic_0001>
#map = affine_map<(d0, d1) -> (0)>
module attributes {stable_mosaic.version = 14 : i64} {
  func.func @_sc_lookup(%arg0: i32, %arg1: i32, %arg2: memref<1000xf32, #tpu.memory_space<hbm>>, %arg3: memref<1000xf32, #tpu.memory_space<hbm>>, %arg4: memref<16384xi32, #tpu.memory_space<hbm>>, %arg5: memref<16384xf32, #tpu.memory_space<hbm>>, %arg6: memref<16384xf32, #tpu.memory_space<hbm>>, %arg7: memref<1000xf32, #tpu.memory_space<vmem>>, %arg8: memref<1000xf32, #tpu.memory_space<vmem>>, %arg9: memref<512xi32, #tpu.memory_space<vmem>>, %arg10: memref<512xf32, #tpu.memory_space<vmem>>, %arg11: memref<512xf32, #tpu.memory_space<vmem>>, %arg12: memref<!tpu.dma_semaphore, #tpu.memory_space<semaphore_mem>>, %arg13: memref<!tpu.dma_semaphore, #tpu.memory_space<semaphore_mem>>) attributes {dimension_semantics = [#tpu.dimension_semantics<core_parallel>, #tpu.dimension_semantics<subcore_parallel>], iteration_bounds = array<i64: 2, 16>, scalar_prefetch = 0 : i64, scratch_operands = 7 : i64, tpu.core_type = #tpu.core_type<sc_vector_subcore>, window_params = [{transform_indices = #map}, {transform_indices = #map}, {transform_indices = #map}, {transform_indices = #map}, {transform_indices = #map}]} {
    %mul3A = arith.constant 2 : i32
    %mul3A_0 = arith.muli %arg1, %mul3A : i32
    %add3A = arith.addi %mul3A_0, %arg0 : i32
    %mul3A_1 = arith.constant 512 : i32
    %mul3A_2 = arith.muli %add3A, %mul3A_1 : i32
    tpu.enqueue_dma source(%arg2 : memref<1000xf32, #tpu.memory_space<hbm>>) target(%arg7 : memref<1000xf32, #tpu.memory_space<vmem>>) target_semaphore(%arg12 : memref<!tpu.dma_semaphore, #tpu.memory_space<semaphore_mem>>)
    %dma_start3A = tpu.memref_slice %arg4[%mul3A_2] : memref<16384xi32, #tpu.memory_space<hbm>> -> memref<512xi32, #tpu.memory_space<hbm>>
    %dma_start3A_3 = tpu.memref_slice %arg4[%mul3A_2] : memref<16384xi32, #tpu.memory_space<hbm>> -> memref<512xi32, #tpu.memory_space<hbm>>
    tpu.enqueue_dma source(%dma_start3A_3 : memref<512xi32, #tpu.memory_space<hbm>>) target(%arg9 : memref<512xi32, #tpu.memory_space<vmem>>) target_semaphore(%arg12 : memref<!tpu.dma_semaphore, #tpu.memory_space<semaphore_mem>>)
    tpu.enqueue_dma source(%arg3 : memref<1000xf32, #tpu.memory_space<hbm>>) target(%arg8 : memref<1000xf32, #tpu.memory_space<vmem>>) target_semaphore(%arg13 : memref<!tpu.dma_semaphore, #tpu.memory_space<semaphore_mem>>)
    tpu.wait_dma2 semaphore(%arg12 : memref<!tpu.dma_semaphore, #tpu.memory_space<semaphore_mem>>) src(%arg2 : memref<1000xf32, #tpu.memory_space<hbm>>) dst(%arg7 : memref<1000xf32, #tpu.memory_space<vmem>>)
    %dma_wait3A = tpu.memref_slice %arg4[%mul3A_2] : memref<16384xi32, #tpu.memory_space<hbm>> -> memref<512xi32, #tpu.memory_space<hbm>>
    %dma_wait3A_4 = tpu.memref_slice %arg4[%mul3A_2] : memref<16384xi32, #tpu.memory_space<hbm>> -> memref<512xi32, #tpu.memory_space<hbm>>
    tpu.wait_dma2 semaphore(%arg12 : memref<!tpu.dma_semaphore, #tpu.memory_space<semaphore_mem>>) src(%dma_wait3A_4 : memref<512xi32, #tpu.memory_space<hbm>>) dst(%arg9 : memref<512xi32, #tpu.memory_space<vmem>>)
    %get3A = arith.constant 0 : index
    %get3A_5 = tpu.vector_load %arg9[%get3A] {strides = array<i32>} : memref<512xi32, #tpu.memory_space<vmem>>, vector<16xi32>,
    %gather3A = tpu.vector_load_idx %arg7[%get3A_5] : memref<1000xf32, #tpu.memory_space<vmem>>[vector<16xi32>], vector<16xf32>,
    %swap3A = arith.constant 0 : index
    %swap3A_6 = tpu.vector_load %arg10[%swap3A] {strides = array<i32>} : memref<512xf32, #tpu.memory_space<vmem>>, vector<16xf32>,
    tpu.vector_store %arg10[%swap3A], %gather3A {strides = array<i32>} : memref<512xf32, #tpu.memory_space<vmem>>, vector<16xf32>,
    %get3A_7 = arith.constant 16 : index
    %get3A_8 = tpu.vector_load %arg9[%get3A_7] {strides = array<i32>} : memref<512xi32, #tpu.memory_space<vmem>>, vector<16xi32>,
    %gather3A_9 = tpu.vector_load_idx %arg7[%get3A_8] : memref<1000xf32, #tpu.memory_space<vmem>>[vector<16xi32>], vector<16xf32>,
    %swap3A_10 = arith.constant 16 : index
    %swap3A_11 = tpu.vector_load %arg10[%swap3A_10] {strides = array<i32>} : memref<512xf32, #tpu.memory_space<vmem>>, vector<16xf32>,
    tpu.vector_store %arg10[%swap3A_10], %gather3A_9 {strides = array<i32>} : memref<512xf32, #tpu.memory_space<vmem>>, vector<16xf32>,
    %get3A_12 = arith.constant 32 : index
    %get3A_13 = tpu.vector_load %arg9[%get3A_12] {strides = array<i32>} : memref<512xi32, #tpu.memory_space<vmem>>, vector<16xi32>,
    %gather3A_14 = tpu.vector_load_idx %arg7[%get3A_13] : memref<1000xf32, #tpu.memory_space<vmem>>[vector<16xi32>], vector<16xf32>,
    %swap3A_15 = arith.constant 32 : index
    %swap3A_16 = tpu.vector_load %arg10[%swap3A_15] {strides = array<i32>} : memref<512xf32, #tpu.memory_space<vmem>>, vector<16xf32>,
    tpu.vector_store %arg10[%swap3A_15], %gather3A_14 {strides = array<i32>} : memref<512xf32, #tpu.memory_space<vmem>>, vector<16xf32>,
    %get3A_17 = arith.constant 48 : index
    %get3A_18 = tpu.vector_load %arg9[%get3A_17] {strides = array<i32>} : memref<512xi32, #tpu.memory_space<vmem>>, vector<16xi32>,
    %gather3A_19 = tpu.vector_load_idx %arg7[%get3A_18] : memref<1000xf32, #tpu.memory_space<vmem>>[vector<16xi32>], vector<16xf32>,
    %swap3A_20 = arith.constant 48 : index
    %swap3A_21 = tpu.vector_load %arg10[%swap3A_20] {strides = array<i32>} : memref<512xf32, #tpu.memory_space<vmem>>, vector<16xf32>,
    tpu.vector_store %arg10[%swap3A_20], %gather3A_19 {strides = array<i32>} : memref<512xf32, #tpu.memory_space<vmem>>, vector<16xf32>,
    %get3A_22 = arith.constant 64 : index
    %get3A_23 = tpu.vector_load %arg9[%get3A_22] {strides = array<i32>} : memref<512xi32, #tpu.memory_space<vmem>>, vector<16xi32>,
    %gather3A_24 = tpu.vector_load_idx %arg7[%get3A_23] : memref<1000xf32, #tpu.memory_space<vmem>>[vector<16xi32>], vector<16xf32>,
    %swap3A_25 = arith.constant 64 : index
    %swap3A_26 = tpu.vector_load %arg10[%swap3A_25] {strides = array<i32>} : memref<512xf32, #tpu.memory_space<vmem>>, vector<16xf32>,
    tpu.vector_store %arg10[%swap3A_25], %gather3A_24 {strides = array<i32>} : memref<512xf32, #tpu.memory_space<vmem>>, vector<16xf32>,
    %get3A_27 = arith.constant 80 : index
    %get3A_28 = tpu.vector_load %arg9[%get3A_27] {strides = array<i32>} : memref<512xi32, #tpu.memory_space<vmem>>, vector<16xi32>,
    %gather3A_29 = tpu.vector_load_idx %arg7[%get3A_28] : memref<1000xf32, #tpu.memory_space<vmem>>[vector<16xi32>], vector<16xf32>,
    %swap3A_30 = arith.constant 80 : index
    %swap3A_31 = tpu.vector_load %arg10[%swap3A_30] {strides = array<i32>} : memref<512xf32, #tpu.memory_space<vmem>>, vector<16xf32>,
    tpu.vector_store %arg10[%swap3A_30], %gather3A_29 {strides = array<i32>} : memref<512xf32, #tpu.memory_space<vmem>>, vector<16xf32>,
    %get3A_32 = arith.constant 96 : index
    %get3A_33 = tpu.vector_load %arg9[%get3A_32] {strides = array<i32>} : memref<512xi32, #tpu.memory_space<vmem>>, vector<16xi32>,
    %gather3A_34 = tpu.vector_load_idx %arg7[%get3A_33] : memref<1000xf32, #tpu.memory_space<vmem>>[vector<16xi32>], vector<16xf32>,
    %swap3A_35 = arith.constant 96 : index
    %swap3A_36 = tpu.vector_load %arg10[%swap3A_35] {strides = array<i32>} : memref<512xf32, #tpu.memory_space<vmem>>, vector<16xf32>,
    tpu.vector_store %arg10[%swap3A_35], %gather3A_34 {strides = array<i32>} : memref<512xf32, #tpu.memory_space<vmem>>, vector<16xf32>,
    %get3A_37 = arith.constant 112 : index
    %get3A_38 = tpu.vector_load %arg9[%get3A_37] {strides = array<i32>} : memref<512xi32, #tpu.memory_space<vmem>>, vector<16xi32>,
    %gather3A_39 = tpu.vector_load_idx %arg7[%get3A_38] : memref<1000xf32, #tpu.memory_space<vmem>>[vector<16xi32>], vector<16xf32>,
    %swap3A_40 = arith.constant 112 : index
    %swap3A_41 = tpu.vector_load %arg10[%swap3A_40] {strides = array<i32>} : memref<512xf32, #tpu.memory_space<vmem>>, vector<16xf32>,
    tpu.vector_store %arg10[%swap3A_40], %gather3A_39 {strides = array<i32>} : memref<512xf32, #tpu.memory_space<vmem>>, vector<16xf32>,
    %get3A_42 = arith.constant 128 : index
    %get3A_43 = tpu.vector_load %arg9[%get3A_42] {strides = array<i32>} : memref<512xi32, #tpu.memory_space<vmem>>, vector<16xi32>,
    %gather3A_44 = tpu.vector_load_idx %arg7[%get3A_43] : memref<1000xf32, #tpu.memory_space<vmem>>[vector<16xi32>], vector<16xf32>,
    %swap3A_45 = arith.constant 128 : index
    %swap3A_46 = tpu.vector_load %arg10[%swap3A_45] {strides = array<i32>} : memref<512xf32, #tpu.memory_space<vmem>>, vector<16xf32>,
    tpu.vector_store %arg10[%swap3A_45], %gather3A_44 {strides = array<i32>} : memref<512xf32, #tpu.memory_space<vmem>>, vector<16xf32>,
    %get3A_47 = arith.constant 144 : index
    %get3A_48 = tpu.vector_load %arg9[%get3A_47] {strides = array<i32>} : memref<512xi32, #tpu.memory_space<vmem>>, vector<16xi32>,
    %gather3A_49 = tpu.vector_load_idx %arg7[%get3A_48] : memref<1000xf32, #tpu.memory_space<vmem>>[vector<16xi32>], vector<16xf32>,
    %swap3A_50 = arith.constant 144 : index
    %swap3A_51 = tpu.vector_load %arg10[%swap3A_50] {strides = array<i32>} : memref<512xf32, #tpu.memory_space<vmem>>, vector<16xf32>,
    tpu.vector_store %arg10[%swap3A_50], %gather3A_49 {strides = array<i32>} : memref<512xf32, #tpu.memory_space<vmem>>, vector<16xf32>,
    %get3A_52 = arith.constant 160 : index
    %get3A_53 = tpu.vector_load %arg9[%get3A_52] {strides = array<i32>} : memref<512xi32, #tpu.memory_space<vmem>>, vector<16xi32>,
    %gather3A_54 = tpu.vector_load_idx %arg7[%get3A_53] : memref<1000xf32, #tpu.memory_space<vmem>>[vector<16xi32>], vector<16xf32>,
    %swap3A_55 = arith.constant 160 : index
    %swap3A_56 = tpu.vector_load %arg10[%swap3A_55] {strides = array<i32>} : memref<512xf32, #tpu.memory_space<vmem>>, vector<16xf32>,
    tpu.vector_store %arg10[%swap3A_55], %gather3A_54 {strides = array<i32>} : memref<512xf32, #tpu.memory_space<vmem>>, vector<16xf32>,
    %get3A_57 = arith.constant 176 : index
    %get3A_58 = tpu.vector_load %arg9[%get3A_57] {strides = array<i32>} : memref<512xi32, #tpu.memory_space<vmem>>, vector<16xi32>,
    %gather3A_59 = tpu.vector_load_idx %arg7[%get3A_58] : memref<1000xf32, #tpu.memory_space<vmem>>[vector<16xi32>], vector<16xf32>,
    %swap3A_60 = arith.constant 176 : index
    %swap3A_61 = tpu.vector_load %arg10[%swap3A_60] {strides = array<i32>} : memref<512xf32, #tpu.memory_space<vmem>>, vector<16xf32>,
    tpu.vector_store %arg10[%swap3A_60], %gather3A_59 {strides = array<i32>} : memref<512xf32, #tpu.memory_space<vmem>>, vector<16xf32>,
    %get3A_62 = arith.constant 192 : index
    %get3A_63 = tpu.vector_load %arg9[%get3A_62] {strides = array<i32>} : memref<512xi32, #tpu.memory_space<vmem>>, vector<16xi32>,
    %gather3A_64 = tpu.vector_load_idx %arg7[%get3A_63] : memref<1000xf32, #tpu.memory_space<vmem>>[vector<16xi32>], vector<16xf32>,
    %swap3A_65 = arith.constant 192 : index
    %swap3A_66 = tpu.vector_load %arg10[%swap3A_65] {strides = array<i32>} : memref<512xf32, #tpu.memory_space<vmem>>, vector<16xf32>,
    tpu.vector_store %arg10[%swap3A_65], %gather3A_64 {strides = array<i32>} : memref<512xf32, #tpu.memory_space<vmem>>, vector<16xf32>,
    %get3A_67 = arith.constant 208 : index
    %get3A_68 = tpu.vector_load %arg9[%get3A_67] {strides = array<i32>} : memref<512xi32, #tpu.memory_space<vmem>>, vector<16xi32>,
    %gather3A_69 = tpu.vector_load_idx %arg7[%get3A_68] : memref<1000xf32, #tpu.memory_space<vmem>>[vector<16xi32>], vector<16xf32>,
    %swap3A_70 = arith.constant 208 : index
    %swap3A_71 = tpu.vector_load %arg10[%swap3A_70] {strides = array<i32>} : memref<512xf32, #tpu.memory_space<vmem>>, vector<16xf32>,
    tpu.vector_store %arg10[%swap3A_70], %gather3A_69 {strides = array<i32>} : memref<512xf32, #tpu.memory_space<vmem>>, vector<16xf32>,
    %get3A_72 = arith.constant 224 : index
    %get3A_73 = tpu.vector_load %arg9[%get3A_72] {strides = array<i32>} : memref<512xi32, #tpu.memory_space<vmem>>, vector<16xi32>,
    %gather3A_74 = tpu.vector_load_idx %arg7[%get3A_73] : memref<1000xf32, #tpu.memory_space<vmem>>[vector<16xi32>], vector<16xf32>,
    %swap3A_75 = arith.constant 224 : index
    %swap3A_76 = tpu.vector_load %arg10[%swap3A_75] {strides = array<i32>} : memref<512xf32, #tpu.memory_space<vmem>>, vector<16xf32>,
    tpu.vector_store %arg10[%swap3A_75], %gather3A_74 {strides = array<i32>} : memref<512xf32, #tpu.memory_space<vmem>>, vector<16xf32>,
    %get3A_77 = arith.constant 240 : index
    %get3A_78 = tpu.vector_load %arg9[%get3A_77] {strides = array<i32>} : memref<512xi32, #tpu.memory_space<vmem>>, vector<16xi32>,
    %gather3A_79 = tpu.vector_load_idx %arg7[%get3A_78] : memref<1000xf32, #tpu.memory_space<vmem>>[vector<16xi32>], vector<16xf32>,
    %swap3A_80 = arith.constant 240 : index
    %swap3A_81 = tpu.vector_load %arg10[%swap3A_80] {strides = array<i32>} : memref<512xf32, #tpu.memory_space<vmem>>, vector<16xf32>,
    tpu.vector_store %arg10[%swap3A_80], %gather3A_79 {strides = array<i32>} : memref<512xf32, #tpu.memory_space<vmem>>, vector<16xf32>,
    %get3A_82 = arith.constant 256 : index
    %get3A_83 = tpu.vector_load %arg9[%get3A_82] {strides = array<i32>} : memref<512xi32, #tpu.memory_space<vmem>>, vector<16xi32>,
    %gather3A_84 = tpu.vector_load_idx %arg7[%get3A_83] : memref<1000xf32, #tpu.memory_space<vmem>>[vector<16xi32>], vector<16xf32>,
    %swap3A_85 = arith.constant 256 : index
    %swap3A_86 = tpu.vector_load %arg10[%swap3A_85] {strides = array<i32>} : memref<512xf32, #tpu.memory_space<vmem>>, vector<16xf32>,
    tpu.vector_store %arg10[%swap3A_85], %gather3A_84 {strides = array<i32>} : memref<512xf32, #tpu.memory_space<vmem>>, vector<16xf32>,
    %get3A_87 = arith.constant 272 : index
    %get3A_88 = tpu.vector_load %arg9[%get3A_87] {strides = array<i32>} : memref<512xi32, #tpu.memory_space<vmem>>, vector<16xi32>,
    %gather3A_89 = tpu.vector_load_idx %arg7[%get3A_88] : memref<1000xf32, #tpu.memory_space<vmem>>[vector<16xi32>], vector<16xf32>,
    %swap3A_90 = arith.constant 272 : index
    %swap3A_91 = tpu.vector_load %arg10[%swap3A_90] {strides = array<i32>} : memref<512xf32, #tpu.memory_space<vmem>>, vector<16xf32>,
    tpu.vector_store %arg10[%swap3A_90], %gather3A_89 {strides = array<i32>} : memref<512xf32, #tpu.memory_space<vmem>>, vector<16xf32>,
    %get3A_92 = arith.constant 288 : index
    %get3A_93 = tpu.vector_load %arg9[%get3A_92] {strides = array<i32>} : memref<512xi32, #tpu.memory_space<vmem>>, vector<16xi32>,
    %gather3A_94 = tpu.vector_load_idx %arg7[%get3A_93] : memref<1000xf32, #tpu.memory_space<vmem>>[vector<16xi32>], vector<16xf32>,
    %swap3A_95 = arith.constant 288 : index
    %swap3A_96 = tpu.vector_load %arg10[%swap3A_95] {strides = array<i32>} : memref<512xf32, #tpu.memory_space<vmem>>, vector<16xf32>,
    tpu.vector_store %arg10[%swap3A_95], %gather3A_94 {strides = array<i32>} : memref<512xf32, #tpu.memory_space<vmem>>, vector<16xf32>,
    %get3A_97 = arith.constant 304 : index
    %get3A_98 = tpu.vector_load %arg9[%get3A_97] {strides = array<i32>} : memref<512xi32, #tpu.memory_space<vmem>>, vector<16xi32>,
    %gather3A_99 = tpu.vector_load_idx %arg7[%get3A_98] : memref<1000xf32, #tpu.memory_space<vmem>>[vector<16xi32>], vector<16xf32>,
    %swap3A_100 = arith.constant 304 : index
    %swap3A_101 = tpu.vector_load %arg10[%swap3A_100] {strides = array<i32>} : memref<512xf32, #tpu.memory_space<vmem>>, vector<16xf32>,
    tpu.vector_store %arg10[%swap3A_100], %gather3A_99 {strides = array<i32>} : memref<512xf32, #tpu.memory_space<vmem>>, vector<16xf32>,
    %get3A_102 = arith.constant 320 : index
    %get3A_103 = tpu.vector_load %arg9[%get3A_102] {strides = array<i32>} : memref<512xi32, #tpu.memory_space<vmem>>, vector<16xi32>,
    %gather3A_104 = tpu.vector_load_idx %arg7[%get3A_103] : memref<1000xf32, #tpu.memory_space<vmem>>[vector<16xi32>], vector<16xf32>,
    %swap3A_105 = arith.constant 320 : index
    %swap3A_106 = tpu.vector_load %arg10[%swap3A_105] {strides = array<i32>} : memref<512xf32, #tpu.memory_space<vmem>>, vector<16xf32>,
    tpu.vector_store %arg10[%swap3A_105], %gather3A_104 {strides = array<i32>} : memref<512xf32, #tpu.memory_space<vmem>>, vector<16xf32>,
    %get3A_107 = arith.constant 336 : index
    %get3A_108 = tpu.vector_load %arg9[%get3A_107] {strides = array<i32>} : memref<512xi32, #tpu.memory_space<vmem>>, vector<16xi32>,
    %gather3A_109 = tpu.vector_load_idx %arg7[%get3A_108] : memref<1000xf32, #tpu.memory_space<vmem>>[vector<16xi32>], vector<16xf32>,
    %swap3A_110 = arith.constant 336 : index
    %swap3A_111 = tpu.vector_load %arg10[%swap3A_110] {strides = array<i32>} : memref<512xf32, #tpu.memory_space<vmem>>, vector<16xf32>,
    tpu.vector_store %arg10[%swap3A_110], %gather3A_109 {strides = array<i32>} : memref<512xf32, #tpu.memory_space<vmem>>, vector<16xf32>,
    %get3A_112 = arith.constant 352 : index
    %get3A_113 = tpu.vector_load %arg9[%get3A_112] {strides = array<i32>} : memref<512xi32, #tpu.memory_space<vmem>>, vector<16xi32>,
    %gather3A_114 = tpu.vector_load_idx %arg7[%get3A_113] : memref<1000xf32, #tpu.memory_space<vmem>>[vector<16xi32>], vector<16xf32>,
    %swap3A_115 = arith.constant 352 : index
    %swap3A_116 = tpu.vector_load %arg10[%swap3A_115] {strides = array<i32>} : memref<512xf32, #tpu.memory_space<vmem>>, vector<16xf32>,
    tpu.vector_store %arg10[%swap3A_115], %gather3A_114 {strides = array<i32>} : memref<512xf32, #tpu.memory_space<vmem>>, vector<16xf32>,
    %get3A_117 = arith.constant 368 : index
    %get3A_118 = tpu.vector_load %arg9[%get3A_117] {strides = array<i32>} : memref<512xi32, #tpu.memory_space<vmem>>, vector<16xi32>,
    %gather3A_119 = tpu.vector_load_idx %arg7[%get3A_118] : memref<1000xf32, #tpu.memory_space<vmem>>[vector<16xi32>], vector<16xf32>,
    %swap3A_120 = arith.constant 368 : index
    %swap3A_121 = tpu.vector_load %arg10[%swap3A_120] {strides = array<i32>} : memref<512xf32, #tpu.memory_space<vmem>>, vector<16xf32>,
    tpu.vector_store %arg10[%swap3A_120], %gather3A_119 {strides = array<i32>} : memref<512xf32, #tpu.memory_space<vmem>>, vector<16xf32>,
    %get3A_122 = arith.constant 384 : index
    %get3A_123 = tpu.vector_load %arg9[%get3A_122] {strides = array<i32>} : memref<512xi32, #tpu.memory_space<vmem>>, vector<16xi32>,
    %gather3A_124 = tpu.vector_load_idx %arg7[%get3A_123] : memref<1000xf32, #tpu.memory_space<vmem>>[vector<16xi32>], vector<16xf32>,
    %swap3A_125 = arith.constant 384 : index
    %swap3A_126 = tpu.vector_load %arg10[%swap3A_125] {strides = array<i32>} : memref<512xf32, #tpu.memory_space<vmem>>, vector<16xf32>,
    tpu.vector_store %arg10[%swap3A_125], %gather3A_124 {strides = array<i32>} : memref<512xf32, #tpu.memory_space<vmem>>, vector<16xf32>,
    %get3A_127 = arith.constant 400 : index
    %get3A_128 = tpu.vector_load %arg9[%get3A_127] {strides = array<i32>} : memref<512xi32, #tpu.memory_space<vmem>>, vector<16xi32>,
    %gather3A_129 = tpu.vector_load_idx %arg7[%get3A_128] : memref<1000xf32, #tpu.memory_space<vmem>>[vector<16xi32>], vector<16xf32>,
    %swap3A_130 = arith.constant 400 : index
    %swap3A_131 = tpu.vector_load %arg10[%swap3A_130] {strides = array<i32>} : memref<512xf32, #tpu.memory_space<vmem>>, vector<16xf32>,
    tpu.vector_store %arg10[%swap3A_130], %gather3A_129 {strides = array<i32>} : memref<512xf32, #tpu.memory_space<vmem>>, vector<16xf32>,
    %get3A_132 = arith.constant 416 : index
    %get3A_133 = tpu.vector_load %arg9[%get3A_132] {strides = array<i32>} : memref<512xi32, #tpu.memory_space<vmem>>, vector<16xi32>,
    %gather3A_134 = tpu.vector_load_idx %arg7[%get3A_133] : memref<1000xf32, #tpu.memory_space<vmem>>[vector<16xi32>], vector<16xf32>,
    %swap3A_135 = arith.constant 416 : index
    %swap3A_136 = tpu.vector_load %arg10[%swap3A_135] {strides = array<i32>} : memref<512xf32, #tpu.memory_space<vmem>>, vector<16xf32>,
    tpu.vector_store %arg10[%swap3A_135], %gather3A_134 {strides = array<i32>} : memref<512xf32, #tpu.memory_space<vmem>>, vector<16xf32>,
    %get3A_137 = arith.constant 432 : index
    %get3A_138 = tpu.vector_load %arg9[%get3A_137] {strides = array<i32>} : memref<512xi32, #tpu.memory_space<vmem>>, vector<16xi32>,
    %gather3A_139 = tpu.vector_load_idx %arg7[%get3A_138] : memref<1000xf32, #tpu.memory_space<vmem>>[vector<16xi32>], vector<16xf32>,
    %swap3A_140 = arith.constant 432 : index
    %swap3A_141 = tpu.vector_load %arg10[%swap3A_140] {strides = array<i32>} : memref<512xf32, #tpu.memory_space<vmem>>, vector<16xf32>,
    tpu.vector_store %arg10[%swap3A_140], %gather3A_139 {strides = array<i32>} : memref<512xf32, #tpu.memory_space<vmem>>, vector<16xf32>,
    %get3A_142 = arith.constant 448 : index
    %get3A_143 = tpu.vector_load %arg9[%get3A_142] {strides = array<i32>} : memref<512xi32, #tpu.memory_space<vmem>>, vector<16xi32>,
    %gather3A_144 = tpu.vector_load_idx %arg7[%get3A_143] : memref<1000xf32, #tpu.memory_space<vmem>>[vector<16xi32>], vector<16xf32>,
    %swap3A_145 = arith.constant 448 : index
    %swap3A_146 = tpu.vector_load %arg10[%swap3A_145] {strides = array<i32>} : memref<512xf32, #tpu.memory_space<vmem>>, vector<16xf32>,
    tpu.vector_store %arg10[%swap3A_145], %gather3A_144 {strides = array<i32>} : memref<512xf32, #tpu.memory_space<vmem>>, vector<16xf32>,
    %get3A_147 = arith.constant 464 : index
    %get3A_148 = tpu.vector_load %arg9[%get3A_147] {strides = array<i32>} : memref<512xi32, #tpu.memory_space<vmem>>, vector<16xi32>,
    %gather3A_149 = tpu.vector_load_idx %arg7[%get3A_148] : memref<1000xf32, #tpu.memory_space<vmem>>[vector<16xi32>], vector<16xf32>,
    %swap3A_150 = arith.constant 464 : index
    %swap3A_151 = tpu.vector_load %arg10[%swap3A_150] {strides = array<i32>} : memref<512xf32, #tpu.memory_space<vmem>>, vector<16xf32>,
    tpu.vector_store %arg10[%swap3A_150], %gather3A_149 {strides = array<i32>} : memref<512xf32, #tpu.memory_space<vmem>>, vector<16xf32>,
    %get3A_152 = arith.constant 480 : index
    %get3A_153 = tpu.vector_load %arg9[%get3A_152] {strides = array<i32>} : memref<512xi32, #tpu.memory_space<vmem>>, vector<16xi32>,
    %gather3A_154 = tpu.vector_load_idx %arg7[%get3A_153] : memref<1000xf32, #tpu.memory_space<vmem>>[vector<16xi32>], vector<16xf32>,
    %swap3A_155 = arith.constant 480 : index
    %swap3A_156 = tpu.vector_load %arg10[%swap3A_155] {strides = array<i32>} : memref<512xf32, #tpu.memory_space<vmem>>, vector<16xf32>,
    tpu.vector_store %arg10[%swap3A_155], %gather3A_154 {strides = array<i32>} : memref<512xf32, #tpu.memory_space<vmem>>, vector<16xf32>,
    %get3A_157 = arith.constant 496 : index
    %get3A_158 = tpu.vector_load %arg9[%get3A_157] {strides = array<i32>} : memref<512xi32, #tpu.memory_space<vmem>>, vector<16xi32>,
    %gather3A_159 = tpu.vector_load_idx %arg7[%get3A_158] : memref<1000xf32, #tpu.memory_space<vmem>>[vector<16xi32>], vector<16xf32>,
    %swap3A_160 = arith.constant 496 : index
    %swap3A_161 = tpu.vector_load %arg10[%swap3A_160] {strides = array<i32>} : memref<512xf32, #tpu.memory_space<vmem>>, vector<16xf32>,
    tpu.vector_store %arg10[%swap3A_160], %gather3A_159 {strides = array<i32>} : memref<512xf32, #tpu.memory_space<vmem>>, vector<16xf32>,
    %dma_start3A_162 = tpu.memref_slice %arg5[%mul3A_2] : memref<16384xf32, #tpu.memory_space<hbm>> -> memref<512xf32, #tpu.memory_space<hbm>>
    %dma_start3A_163 = tpu.memref_slice %arg5[%mul3A_2] : memref<16384xf32, #tpu.memory_space<hbm>> -> memref<512xf32, #tpu.memory_space<hbm>>
    tpu.enqueue_dma source(%arg10 : memref<512xf32, #tpu.memory_space<vmem>>) target(%dma_start3A_163 : memref<512xf32, #tpu.memory_space<hbm>>) target_semaphore(%arg12 : memref<!tpu.dma_semaphore, #tpu.memory_space<semaphore_mem>>)
    tpu.wait_dma2 semaphore(%arg13 : memref<!tpu.dma_semaphore, #tpu.memory_space<semaphore_mem>>) src(%arg3 : memref<1000xf32, #tpu.memory_space<hbm>>) dst(%arg8 : memref<1000xf32, #tpu.memory_space<vmem>>)
    %get3A_164 = arith.constant 0 : index
    %get3A_165 = tpu.vector_load %arg9[%get3A_164] {strides = array<i32>} : memref<512xi32, #tpu.memory_space<vmem>>, vector<16xi32>,
    %gather3A_166 = tpu.vector_load_idx %arg8[%get3A_165] : memref<1000xf32, #tpu.memory_space<vmem>>[vector<16xi32>], vector<16xf32>,
    %swap3A_167 = arith.constant 0 : index
    %swap3A_168 = tpu.vector_load %arg11[%swap3A_167] {strides = array<i32>} : memref<512xf32, #tpu.memory_space<vmem>>, vector<16xf32>,
    tpu.vector_store %arg11[%swap3A_167], %gather3A_166 {strides = array<i32>} : memref<512xf32, #tpu.memory_space<vmem>>, vector<16xf32>,
    %get3A_169 = arith.constant 16 : index
    %get3A_170 = tpu.vector_load %arg9[%get3A_169] {strides = array<i32>} : memref<512xi32, #tpu.memory_space<vmem>>, vector<16xi32>,
    %gather3A_171 = tpu.vector_load_idx %arg8[%get3A_170] : memref<1000xf32, #tpu.memory_space<vmem>>[vector<16xi32>], vector<16xf32>,
    %swap3A_172 = arith.constant 16 : index
    %swap3A_173 = tpu.vector_load %arg11[%swap3A_172] {strides = array<i32>} : memref<512xf32, #tpu.memory_space<vmem>>, vector<16xf32>,
    tpu.vector_store %arg11[%swap3A_172], %gather3A_171 {strides = array<i32>} : memref<512xf32, #tpu.memory_space<vmem>>, vector<16xf32>,
    %get3A_174 = arith.constant 32 : index
    %get3A_175 = tpu.vector_load %arg9[%get3A_174] {strides = array<i32>} : memref<512xi32, #tpu.memory_space<vmem>>, vector<16xi32>,
    %gather3A_176 = tpu.vector_load_idx %arg8[%get3A_175] : memref<1000xf32, #tpu.memory_space<vmem>>[vector<16xi32>], vector<16xf32>,
    %swap3A_177 = arith.constant 32 : index
    %swap3A_178 = tpu.vector_load %arg11[%swap3A_177] {strides = array<i32>} : memref<512xf32, #tpu.memory_space<vmem>>, vector<16xf32>,
    tpu.vector_store %arg11[%swap3A_177], %gather3A_176 {strides = array<i32>} : memref<512xf32, #tpu.memory_space<vmem>>, vector<16xf32>,
    %get3A_179 = arith.constant 48 : index
    %get3A_180 = tpu.vector_load %arg9[%get3A_179] {strides = array<i32>} : memref<512xi32, #tpu.memory_space<vmem>>, vector<16xi32>,
    %gather3A_181 = tpu.vector_load_idx %arg8[%get3A_180] : memref<1000xf32, #tpu.memory_space<vmem>>[vector<16xi32>], vector<16xf32>,
    %swap3A_182 = arith.constant 48 : index
    %swap3A_183 = tpu.vector_load %arg11[%swap3A_182] {strides = array<i32>} : memref<512xf32, #tpu.memory_space<vmem>>, vector<16xf32>,
    tpu.vector_store %arg11[%swap3A_182], %gather3A_181 {strides = array<i32>} : memref<512xf32, #tpu.memory_space<vmem>>, vector<16xf32>,
    %get3A_184 = arith.constant 64 : index
    %get3A_185 = tpu.vector_load %arg9[%get3A_184] {strides = array<i32>} : memref<512xi32, #tpu.memory_space<vmem>>, vector<16xi32>,
    %gather3A_186 = tpu.vector_load_idx %arg8[%get3A_185] : memref<1000xf32, #tpu.memory_space<vmem>>[vector<16xi32>], vector<16xf32>,
    %swap3A_187 = arith.constant 64 : index
    %swap3A_188 = tpu.vector_load %arg11[%swap3A_187] {strides = array<i32>} : memref<512xf32, #tpu.memory_space<vmem>>, vector<16xf32>,
    tpu.vector_store %arg11[%swap3A_187], %gather3A_186 {strides = array<i32>} : memref<512xf32, #tpu.memory_space<vmem>>, vector<16xf32>,
    %get3A_189 = arith.constant 80 : index
    %get3A_190 = tpu.vector_load %arg9[%get3A_189] {strides = array<i32>} : memref<512xi32, #tpu.memory_space<vmem>>, vector<16xi32>,
    %gather3A_191 = tpu.vector_load_idx %arg8[%get3A_190] : memref<1000xf32, #tpu.memory_space<vmem>>[vector<16xi32>], vector<16xf32>,
    %swap3A_192 = arith.constant 80 : index
    %swap3A_193 = tpu.vector_load %arg11[%swap3A_192] {strides = array<i32>} : memref<512xf32, #tpu.memory_space<vmem>>, vector<16xf32>,
    tpu.vector_store %arg11[%swap3A_192], %gather3A_191 {strides = array<i32>} : memref<512xf32, #tpu.memory_space<vmem>>, vector<16xf32>,
    %get3A_194 = arith.constant 96 : index
    %get3A_195 = tpu.vector_load %arg9[%get3A_194] {strides = array<i32>} : memref<512xi32, #tpu.memory_space<vmem>>, vector<16xi32>,
    %gather3A_196 = tpu.vector_load_idx %arg8[%get3A_195] : memref<1000xf32, #tpu.memory_space<vmem>>[vector<16xi32>], vector<16xf32>,
    %swap3A_197 = arith.constant 96 : index
    %swap3A_198 = tpu.vector_load %arg11[%swap3A_197] {strides = array<i32>} : memref<512xf32, #tpu.memory_space<vmem>>, vector<16xf32>,
    tpu.vector_store %arg11[%swap3A_197], %gather3A_196 {strides = array<i32>} : memref<512xf32, #tpu.memory_space<vmem>>, vector<16xf32>,
    %get3A_199 = arith.constant 112 : index
    %get3A_200 = tpu.vector_load %arg9[%get3A_199] {strides = array<i32>} : memref<512xi32, #tpu.memory_space<vmem>>, vector<16xi32>,
    %gather3A_201 = tpu.vector_load_idx %arg8[%get3A_200] : memref<1000xf32, #tpu.memory_space<vmem>>[vector<16xi32>], vector<16xf32>,
    %swap3A_202 = arith.constant 112 : index
    %swap3A_203 = tpu.vector_load %arg11[%swap3A_202] {strides = array<i32>} : memref<512xf32, #tpu.memory_space<vmem>>, vector<16xf32>,
    tpu.vector_store %arg11[%swap3A_202], %gather3A_201 {strides = array<i32>} : memref<512xf32, #tpu.memory_space<vmem>>, vector<16xf32>,
    %get3A_204 = arith.constant 128 : index
    %get3A_205 = tpu.vector_load %arg9[%get3A_204] {strides = array<i32>} : memref<512xi32, #tpu.memory_space<vmem>>, vector<16xi32>,
    %gather3A_206 = tpu.vector_load_idx %arg8[%get3A_205] : memref<1000xf32, #tpu.memory_space<vmem>>[vector<16xi32>], vector<16xf32>,
    %swap3A_207 = arith.constant 128 : index
    %swap3A_208 = tpu.vector_load %arg11[%swap3A_207] {strides = array<i32>} : memref<512xf32, #tpu.memory_space<vmem>>, vector<16xf32>,
    tpu.vector_store %arg11[%swap3A_207], %gather3A_206 {strides = array<i32>} : memref<512xf32, #tpu.memory_space<vmem>>, vector<16xf32>,
    %get3A_209 = arith.constant 144 : index
    %get3A_210 = tpu.vector_load %arg9[%get3A_209] {strides = array<i32>} : memref<512xi32, #tpu.memory_space<vmem>>, vector<16xi32>,
    %gather3A_211 = tpu.vector_load_idx %arg8[%get3A_210] : memref<1000xf32, #tpu.memory_space<vmem>>[vector<16xi32>], vector<16xf32>,
    %swap3A_212 = arith.constant 144 : index
    %swap3A_213 = tpu.vector_load %arg11[%swap3A_212] {strides = array<i32>} : memref<512xf32, #tpu.memory_space<vmem>>, vector<16xf32>,
    tpu.vector_store %arg11[%swap3A_212], %gather3A_211 {strides = array<i32>} : memref<512xf32, #tpu.memory_space<vmem>>, vector<16xf32>,
    %get3A_214 = arith.constant 160 : index
    %get3A_215 = tpu.vector_load %arg9[%get3A_214] {strides = array<i32>} : memref<512xi32, #tpu.memory_space<vmem>>, vector<16xi32>,
    %gather3A_216 = tpu.vector_load_idx %arg8[%get3A_215] : memref<1000xf32, #tpu.memory_space<vmem>>[vector<16xi32>], vector<16xf32>,
    %swap3A_217 = arith.constant 160 : index
    %swap3A_218 = tpu.vector_load %arg11[%swap3A_217] {strides = array<i32>} : memref<512xf32, #tpu.memory_space<vmem>>, vector<16xf32>,
    tpu.vector_store %arg11[%swap3A_217], %gather3A_216 {strides = array<i32>} : memref<512xf32, #tpu.memory_space<vmem>>, vector<16xf32>,
    %get3A_219 = arith.constant 176 : index
    %get3A_220 = tpu.vector_load %arg9[%get3A_219] {strides = array<i32>} : memref<512xi32, #tpu.memory_space<vmem>>, vector<16xi32>,
    %gather3A_221 = tpu.vector_load_idx %arg8[%get3A_220] : memref<1000xf32, #tpu.memory_space<vmem>>[vector<16xi32>], vector<16xf32>,
    %swap3A_222 = arith.constant 176 : index
    %swap3A_223 = tpu.vector_load %arg11[%swap3A_222] {strides = array<i32>} : memref<512xf32, #tpu.memory_space<vmem>>, vector<16xf32>,
    tpu.vector_store %arg11[%swap3A_222], %gather3A_221 {strides = array<i32>} : memref<512xf32, #tpu.memory_space<vmem>>, vector<16xf32>,
    %get3A_224 = arith.constant 192 : index
    %get3A_225 = tpu.vector_load %arg9[%get3A_224] {strides = array<i32>} : memref<512xi32, #tpu.memory_space<vmem>>, vector<16xi32>,
    %gather3A_226 = tpu.vector_load_idx %arg8[%get3A_225] : memref<1000xf32, #tpu.memory_space<vmem>>[vector<16xi32>], vector<16xf32>,
    %swap3A_227 = arith.constant 192 : index
    %swap3A_228 = tpu.vector_load %arg11[%swap3A_227] {strides = array<i32>} : memref<512xf32, #tpu.memory_space<vmem>>, vector<16xf32>,
    tpu.vector_store %arg11[%swap3A_227], %gather3A_226 {strides = array<i32>} : memref<512xf32, #tpu.memory_space<vmem>>, vector<16xf32>,
    %get3A_229 = arith.constant 208 : index
    %get3A_230 = tpu.vector_load %arg9[%get3A_229] {strides = array<i32>} : memref<512xi32, #tpu.memory_space<vmem>>, vector<16xi32>,
    %gather3A_231 = tpu.vector_load_idx %arg8[%get3A_230] : memref<1000xf32, #tpu.memory_space<vmem>>[vector<16xi32>], vector<16xf32>,
    %swap3A_232 = arith.constant 208 : index
    %swap3A_233 = tpu.vector_load %arg11[%swap3A_232] {strides = array<i32>} : memref<512xf32, #tpu.memory_space<vmem>>, vector<16xf32>,
    tpu.vector_store %arg11[%swap3A_232], %gather3A_231 {strides = array<i32>} : memref<512xf32, #tpu.memory_space<vmem>>, vector<16xf32>,
    %get3A_234 = arith.constant 224 : index
    %get3A_235 = tpu.vector_load %arg9[%get3A_234] {strides = array<i32>} : memref<512xi32, #tpu.memory_space<vmem>>, vector<16xi32>,
    %gather3A_236 = tpu.vector_load_idx %arg8[%get3A_235] : memref<1000xf32, #tpu.memory_space<vmem>>[vector<16xi32>], vector<16xf32>,
    %swap3A_237 = arith.constant 224 : index
    %swap3A_238 = tpu.vector_load %arg11[%swap3A_237] {strides = array<i32>} : memref<512xf32, #tpu.memory_space<vmem>>, vector<16xf32>,
    tpu.vector_store %arg11[%swap3A_237], %gather3A_236 {strides = array<i32>} : memref<512xf32, #tpu.memory_space<vmem>>, vector<16xf32>,
    %get3A_239 = arith.constant 240 : index
    %get3A_240 = tpu.vector_load %arg9[%get3A_239] {strides = array<i32>} : memref<512xi32, #tpu.memory_space<vmem>>, vector<16xi32>,
    %gather3A_241 = tpu.vector_load_idx %arg8[%get3A_240] : memref<1000xf32, #tpu.memory_space<vmem>>[vector<16xi32>], vector<16xf32>,
    %swap3A_242 = arith.constant 240 : index
    %swap3A_243 = tpu.vector_load %arg11[%swap3A_242] {strides = array<i32>} : memref<512xf32, #tpu.memory_space<vmem>>, vector<16xf32>,
    tpu.vector_store %arg11[%swap3A_242], %gather3A_241 {strides = array<i32>} : memref<512xf32, #tpu.memory_space<vmem>>, vector<16xf32>,
    %get3A_244 = arith.constant 256 : index
    %get3A_245 = tpu.vector_load %arg9[%get3A_244] {strides = array<i32>} : memref<512xi32, #tpu.memory_space<vmem>>, vector<16xi32>,
    %gather3A_246 = tpu.vector_load_idx %arg8[%get3A_245] : memref<1000xf32, #tpu.memory_space<vmem>>[vector<16xi32>], vector<16xf32>,
    %swap3A_247 = arith.constant 256 : index
    %swap3A_248 = tpu.vector_load %arg11[%swap3A_247] {strides = array<i32>} : memref<512xf32, #tpu.memory_space<vmem>>, vector<16xf32>,
    tpu.vector_store %arg11[%swap3A_247], %gather3A_246 {strides = array<i32>} : memref<512xf32, #tpu.memory_space<vmem>>, vector<16xf32>,
    %get3A_249 = arith.constant 272 : index
    %get3A_250 = tpu.vector_load %arg9[%get3A_249] {strides = array<i32>} : memref<512xi32, #tpu.memory_space<vmem>>, vector<16xi32>,
    %gather3A_251 = tpu.vector_load_idx %arg8[%get3A_250] : memref<1000xf32, #tpu.memory_space<vmem>>[vector<16xi32>], vector<16xf32>,
    %swap3A_252 = arith.constant 272 : index
    %swap3A_253 = tpu.vector_load %arg11[%swap3A_252] {strides = array<i32>} : memref<512xf32, #tpu.memory_space<vmem>>, vector<16xf32>,
    tpu.vector_store %arg11[%swap3A_252], %gather3A_251 {strides = array<i32>} : memref<512xf32, #tpu.memory_space<vmem>>, vector<16xf32>,
    %get3A_254 = arith.constant 288 : index
    %get3A_255 = tpu.vector_load %arg9[%get3A_254] {strides = array<i32>} : memref<512xi32, #tpu.memory_space<vmem>>, vector<16xi32>,
    %gather3A_256 = tpu.vector_load_idx %arg8[%get3A_255] : memref<1000xf32, #tpu.memory_space<vmem>>[vector<16xi32>], vector<16xf32>,
    %swap3A_257 = arith.constant 288 : index
    %swap3A_258 = tpu.vector_load %arg11[%swap3A_257] {strides = array<i32>} : memref<512xf32, #tpu.memory_space<vmem>>, vector<16xf32>,
    tpu.vector_store %arg11[%swap3A_257], %gather3A_256 {strides = array<i32>} : memref<512xf32, #tpu.memory_space<vmem>>, vector<16xf32>,
    %get3A_259 = arith.constant 304 : index
    %get3A_260 = tpu.vector_load %arg9[%get3A_259] {strides = array<i32>} : memref<512xi32, #tpu.memory_space<vmem>>, vector<16xi32>,
    %gather3A_261 = tpu.vector_load_idx %arg8[%get3A_260] : memref<1000xf32, #tpu.memory_space<vmem>>[vector<16xi32>], vector<16xf32>,
    %swap3A_262 = arith.constant 304 : index
    %swap3A_263 = tpu.vector_load %arg11[%swap3A_262] {strides = array<i32>} : memref<512xf32, #tpu.memory_space<vmem>>, vector<16xf32>,
    tpu.vector_store %arg11[%swap3A_262], %gather3A_261 {strides = array<i32>} : memref<512xf32, #tpu.memory_space<vmem>>, vector<16xf32>,
    %get3A_264 = arith.constant 320 : index
    %get3A_265 = tpu.vector_load %arg9[%get3A_264] {strides = array<i32>} : memref<512xi32, #tpu.memory_space<vmem>>, vector<16xi32>,
    %gather3A_266 = tpu.vector_load_idx %arg8[%get3A_265] : memref<1000xf32, #tpu.memory_space<vmem>>[vector<16xi32>], vector<16xf32>,
    %swap3A_267 = arith.constant 320 : index
    %swap3A_268 = tpu.vector_load %arg11[%swap3A_267] {strides = array<i32>} : memref<512xf32, #tpu.memory_space<vmem>>, vector<16xf32>,
    tpu.vector_store %arg11[%swap3A_267], %gather3A_266 {strides = array<i32>} : memref<512xf32, #tpu.memory_space<vmem>>, vector<16xf32>,
    %get3A_269 = arith.constant 336 : index
    %get3A_270 = tpu.vector_load %arg9[%get3A_269] {strides = array<i32>} : memref<512xi32, #tpu.memory_space<vmem>>, vector<16xi32>,
    %gather3A_271 = tpu.vector_load_idx %arg8[%get3A_270] : memref<1000xf32, #tpu.memory_space<vmem>>[vector<16xi32>], vector<16xf32>,
    %swap3A_272 = arith.constant 336 : index
    %swap3A_273 = tpu.vector_load %arg11[%swap3A_272] {strides = array<i32>} : memref<512xf32, #tpu.memory_space<vmem>>, vector<16xf32>,
    tpu.vector_store %arg11[%swap3A_272], %gather3A_271 {strides = array<i32>} : memref<512xf32, #tpu.memory_space<vmem>>, vector<16xf32>,
    %get3A_274 = arith.constant 352 : index
    %get3A_275 = tpu.vector_load %arg9[%get3A_274] {strides = array<i32>} : memref<512xi32, #tpu.memory_space<vmem>>, vector<16xi32>,
    %gather3A_276 = tpu.vector_load_idx %arg8[%get3A_275] : memref<1000xf32, #tpu.memory_space<vmem>>[vector<16xi32>], vector<16xf32>,
    %swap3A_277 = arith.constant 352 : index
    %swap3A_278 = tpu.vector_load %arg11[%swap3A_277] {strides = array<i32>} : memref<512xf32, #tpu.memory_space<vmem>>, vector<16xf32>,
    tpu.vector_store %arg11[%swap3A_277], %gather3A_276 {strides = array<i32>} : memref<512xf32, #tpu.memory_space<vmem>>, vector<16xf32>,
    %get3A_279 = arith.constant 368 : index
    %get3A_280 = tpu.vector_load %arg9[%get3A_279] {strides = array<i32>} : memref<512xi32, #tpu.memory_space<vmem>>, vector<16xi32>,
    %gather3A_281 = tpu.vector_load_idx %arg8[%get3A_280] : memref<1000xf32, #tpu.memory_space<vmem>>[vector<16xi32>], vector<16xf32>,
    %swap3A_282 = arith.constant 368 : index
    %swap3A_283 = tpu.vector_load %arg11[%swap3A_282] {strides = array<i32>} : memref<512xf32, #tpu.memory_space<vmem>>, vector<16xf32>,
    tpu.vector_store %arg11[%swap3A_282], %gather3A_281 {strides = array<i32>} : memref<512xf32, #tpu.memory_space<vmem>>, vector<16xf32>,
    %get3A_284 = arith.constant 384 : index
    %get3A_285 = tpu.vector_load %arg9[%get3A_284] {strides = array<i32>} : memref<512xi32, #tpu.memory_space<vmem>>, vector<16xi32>,
    %gather3A_286 = tpu.vector_load_idx %arg8[%get3A_285] : memref<1000xf32, #tpu.memory_space<vmem>>[vector<16xi32>], vector<16xf32>,
    %swap3A_287 = arith.constant 384 : index
    %swap3A_288 = tpu.vector_load %arg11[%swap3A_287] {strides = array<i32>} : memref<512xf32, #tpu.memory_space<vmem>>, vector<16xf32>,
    tpu.vector_store %arg11[%swap3A_287], %gather3A_286 {strides = array<i32>} : memref<512xf32, #tpu.memory_space<vmem>>, vector<16xf32>,
    %get3A_289 = arith.constant 400 : index
    %get3A_290 = tpu.vector_load %arg9[%get3A_289] {strides = array<i32>} : memref<512xi32, #tpu.memory_space<vmem>>, vector<16xi32>,
    %gather3A_291 = tpu.vector_load_idx %arg8[%get3A_290] : memref<1000xf32, #tpu.memory_space<vmem>>[vector<16xi32>], vector<16xf32>,
    %swap3A_292 = arith.constant 400 : index
    %swap3A_293 = tpu.vector_load %arg11[%swap3A_292] {strides = array<i32>} : memref<512xf32, #tpu.memory_space<vmem>>, vector<16xf32>,
    tpu.vector_store %arg11[%swap3A_292], %gather3A_291 {strides = array<i32>} : memref<512xf32, #tpu.memory_space<vmem>>, vector<16xf32>,
    %get3A_294 = arith.constant 416 : index
    %get3A_295 = tpu.vector_load %arg9[%get3A_294] {strides = array<i32>} : memref<512xi32, #tpu.memory_space<vmem>>, vector<16xi32>,
    %gather3A_296 = tpu.vector_load_idx %arg8[%get3A_295] : memref<1000xf32, #tpu.memory_space<vmem>>[vector<16xi32>], vector<16xf32>,
    %swap3A_297 = arith.constant 416 : index
    %swap3A_298 = tpu.vector_load %arg11[%swap3A_297] {strides = array<i32>} : memref<512xf32, #tpu.memory_space<vmem>>, vector<16xf32>,
    tpu.vector_store %arg11[%swap3A_297], %gather3A_296 {strides = array<i32>} : memref<512xf32, #tpu.memory_space<vmem>>, vector<16xf32>,
    %get3A_299 = arith.constant 432 : index
    %get3A_300 = tpu.vector_load %arg9[%get3A_299] {strides = array<i32>} : memref<512xi32, #tpu.memory_space<vmem>>, vector<16xi32>,
    %gather3A_301 = tpu.vector_load_idx %arg8[%get3A_300] : memref<1000xf32, #tpu.memory_space<vmem>>[vector<16xi32>], vector<16xf32>,
    %swap3A_302 = arith.constant 432 : index
    %swap3A_303 = tpu.vector_load %arg11[%swap3A_302] {strides = array<i32>} : memref<512xf32, #tpu.memory_space<vmem>>, vector<16xf32>,
    tpu.vector_store %arg11[%swap3A_302], %gather3A_301 {strides = array<i32>} : memref<512xf32, #tpu.memory_space<vmem>>, vector<16xf32>,
    %get3A_304 = arith.constant 448 : index
    %get3A_305 = tpu.vector_load %arg9[%get3A_304] {strides = array<i32>} : memref<512xi32, #tpu.memory_space<vmem>>, vector<16xi32>,
    %gather3A_306 = tpu.vector_load_idx %arg8[%get3A_305] : memref<1000xf32, #tpu.memory_space<vmem>>[vector<16xi32>], vector<16xf32>,
    %swap3A_307 = arith.constant 448 : index
    %swap3A_308 = tpu.vector_load %arg11[%swap3A_307] {strides = array<i32>} : memref<512xf32, #tpu.memory_space<vmem>>, vector<16xf32>,
    tpu.vector_store %arg11[%swap3A_307], %gather3A_306 {strides = array<i32>} : memref<512xf32, #tpu.memory_space<vmem>>, vector<16xf32>,
    %get3A_309 = arith.constant 464 : index
    %get3A_310 = tpu.vector_load %arg9[%get3A_309] {strides = array<i32>} : memref<512xi32, #tpu.memory_space<vmem>>, vector<16xi32>,
    %gather3A_311 = tpu.vector_load_idx %arg8[%get3A_310] : memref<1000xf32, #tpu.memory_space<vmem>>[vector<16xi32>], vector<16xf32>,
    %swap3A_312 = arith.constant 464 : index
    %swap3A_313 = tpu.vector_load %arg11[%swap3A_312] {strides = array<i32>} : memref<512xf32, #tpu.memory_space<vmem>>, vector<16xf32>,
    tpu.vector_store %arg11[%swap3A_312], %gather3A_311 {strides = array<i32>} : memref<512xf32, #tpu.memory_space<vmem>>, vector<16xf32>,
    %get3A_314 = arith.constant 480 : index
    %get3A_315 = tpu.vector_load %arg9[%get3A_314] {strides = array<i32>} : memref<512xi32, #tpu.memory_space<vmem>>, vector<16xi32>,
    %gather3A_316 = tpu.vector_load_idx %arg8[%get3A_315] : memref<1000xf32, #tpu.memory_space<vmem>>[vector<16xi32>], vector<16xf32>,
    %swap3A_317 = arith.constant 480 : index
    %swap3A_318 = tpu.vector_load %arg11[%swap3A_317] {strides = array<i32>} : memref<512xf32, #tpu.memory_space<vmem>>, vector<16xf32>,
    tpu.vector_store %arg11[%swap3A_317], %gather3A_316 {strides = array<i32>} : memref<512xf32, #tpu.memory_space<vmem>>, vector<16xf32>,
    %get3A_319 = arith.constant 496 : index
    %get3A_320 = tpu.vector_load %arg9[%get3A_319] {strides = array<i32>} : memref<512xi32, #tpu.memory_space<vmem>>, vector<16xi32>,
    %gather3A_321 = tpu.vector_load_idx %arg8[%get3A_320] : memref<1000xf32, #tpu.memory_space<vmem>>[vector<16xi32>], vector<16xf32>,
    %swap3A_322 = arith.constant 496 : index
    %swap3A_323 = tpu.vector_load %arg11[%swap3A_322] {strides = array<i32>} : memref<512xf32, #tpu.memory_space<vmem>>, vector<16xf32>,
    tpu.vector_store %arg11[%swap3A_322], %gather3A_321 {strides = array<i32>} : memref<512xf32, #tpu.memory_space<vmem>>, vector<16xf32>,
    %dma_start3A_324 = tpu.memref_slice %arg6[%mul3A_2] : memref<16384xf32, #tpu.memory_space<hbm>> -> memref<512xf32, #tpu.memory_space<hbm>>
    %dma_start3A_325 = tpu.memref_slice %arg6[%mul3A_2] : memref<16384xf32, #tpu.memory_space<hbm>> -> memref<512xf32, #tpu.memory_space<hbm>>
    tpu.enqueue_dma source(%arg11 : memref<512xf32, #tpu.memory_space<vmem>>) target(%dma_start3A_325 : memref<512xf32, #tpu.memory_space<hbm>>) target_semaphore(%arg13 : memref<!tpu.dma_semaphore, #tpu.memory_space<semaphore_mem>>)
    %dma_wait3A_326 = tpu.memref_slice %arg5[%mul3A_2] : memref<16384xf32, #tpu.memory_space<hbm>> -> memref<512xf32, #tpu.memory_space<hbm>>
    %dma_wait3A_327 = tpu.memref_slice %arg5[%mul3A_2] : memref<16384xf32, #tpu.memory_space<hbm>> -> memref<512xf32, #tpu.memory_space<hbm>>
    tpu.wait_dma2 semaphore(%arg12 : memref<!tpu.dma_semaphore, #tpu.memory_space<semaphore_mem>>) src(%arg10 : memref<512xf32, #tpu.memory_space<vmem>>) dst(%dma_wait3A_327 : memref<512xf32, #tpu.memory_space<hbm>>)
    %dma_wait3A_328 = tpu.memref_slice %arg6[%mul3A_2] : memref<16384xf32, #tpu.memory_space<hbm>> -> memref<512xf32, #tpu.memory_space<hbm>>
    %dma_wait3A_329 = tpu.memref_slice %arg6[%mul3A_2] : memref<16384xf32, #tpu.memory_space<hbm>> -> memref<512xf32, #tpu.memory_space<hbm>>
    tpu.wait_dma2 semaphore(%arg13 : memref<!tpu.dma_semaphore, #tpu.memory_space<semaphore_mem>>) src(%arg11 : memref<512xf32, #tpu.memory_space<vmem>>) dst(%dma_wait3A_329 : memref<512xf32, #tpu.memory_space<hbm>>)
    return
  }
}

</mosaic_0001>

<sc_bundles>
// kernel: kernel.3.cloned.1.call-start
scs
__scs_entry_jumppad:
0x0: {  	(pc) =	sbr.rel $0x88, $3  }
0x1: {  	(tag) =	ssettag $0x0;
	lr =	simm.s32 $0x1  }
0x2: {  	[smem:$0x3F9E] =	sst lr;
	_ =	strace $0xD0000000  }
0x3: {  	_ = 	snop  }
0x4: {  	_ = 	snop  }
0x5: {  	_ = 	snop  }
0x6: {  	_ = 	snop  }
0x7: {  	_ = 	snop  }
__scs_overlays_trampoline_lowered:
0x8: {  	[smem:$0x3FAD] =	sst s0  }
0x9: {  	[smem:$0x3FAE] =	sst s1  }
0xa: {  	[smem:$0x3FAF] =	sst s2  }
0xb: {  	[smem:$0x3FB0] =	sst s3  }
0xc: {  	[smem:$0x3FB1] =	sst s4  }
0xd: {  	[smem:$0x3FB2] =	sst s5  }
0xe: {  	[smem:$0x3FB3] =	sst s6  }
0xf: {  	[smem:$0x3FB4] =	sst s7  }
0x10: {  	[smem:$0x3FB5] =	sst s8  }
0x11: {  	[smem:$0x3FB6] =	sst s9;
	s0 =	simm.s32 @!p0 $0x0  }
0x12: {  	s1 =	sld [smem:$0x3F9C];
	s0 =	simm.s32 @p0 $0x1  }
0x13: {  	[smem:$0x3FB7] =	sst s0;
	s0 =	simm.s32 @!p1 $0x0  }
0x14: {  	s2 =	sld [smem:$0x3F9B];
	s0 =	simm.s32 @p1 $0x1  }
0x15: {  	[smem:$0x3FB8] =	sst s0;
	s0 =	simm.s32 @!p2 $0x0  }
0x16: {  	s3 =	sld [smem:$0x3FDB];
	s0 =	simm.s32 @p2 $0x1  }
0x17: {  	s4 =	simm.s32 $0x1BF5;
	[smem:$0x3FBA] =	sst s0  }
0x18: {  	s0 =	sld [smem:$0x3F9D];
	_ =	swait.ge [sflag:s4], $0x0  }
0x19: {  	s7 =	sld [smem:$0x3F9E]  }
0x1a: {  	s8 =	sadd.s32 $0xFFFFE003, lr  }
0x1b: {  	s9 =	sadd.s32 $0xFFFFFEF7, lr;
	s5 =	simm.s32 $0xFFFFFFFF;
	p2 =	slt.u32 s8, $0xFFFFF086  }
0x1c: {  	p1 =	slt.u32 s9, $0xF7A;
	s5 =	simm.s32 @!p2 $0x0  }
0x1d: {  	s5 =	simm.s32 @p1 $0x1;
	p0 =	seq.s32 s7, s2  }
0x1e: {  	s7 =	smul.u32 @!p0 $0xF7A, s2;
	p2 =	seq.s32 @!p0 s5, $0x0  }
0x1f: {  	s9 =	smul.u32 $0xF7A, s1;
	s8 =	simm.s32 @!p0 $0x1BF5;
	p2 =	por !p2, p0  }
0x20: {  	[sflag:s8] =	ssyncset.s32 @!p0 $0xFFFFF086;
	s6 =	sadd.s32 @!p0 s3, s7;
	s7 =	simm.s32 @!p0 $0x108  }
0x21: {  	s3 =	sadd.s32 s3, s9;
	s6 =	sadd.s32 @!p0 $0x88, s6;
	s7 =	simm.s32 @p2 $0x1082  }
0x22: {  	[simem:s7], [sflag:s8] =	dma.local @!p0 [hbm:s6], $0xF7A  }
0x23: {  	s9 =	sor.u32 $0xD0000000, s2;
	s6 =	simm.s32 $0x108;
	_ =	swait.ge @!p0 [sflag:s8], $0x0  }
0x24: {  	s3 =	sadd.s32 $0x88, s3;
	s6 =	simm.s32 @!p1 $0x1082;
	[sflag:s4] =	ssyncset.s32 $0xFFFFF086  }
0x25: {  	[simem:s6], [sflag:s4] =	dma.local [hbm:s3], $0xF7A  }
0x26: {  	[smem:$0x3F9E] =	sst s1;
	(tag) =	ssettag s2;
	_ =	strace s9  }
0x27: {  	s1 =	sld [smem:$0x3FAE]  }
0x28: {  	s2 =	sld [smem:$0x3FAF]  }
0x29: {  	s4 =	sld [smem:$0x3FB1]  }
0x2a: {  	p0 =	seq.s32 s5, $0x0;
	s5 =	sld [smem:$0x3FB2]  }
0x2b: {  	s6 =	sld [smem:$0x3FB3]  }
0x2c: {  	s7 =	sld [smem:$0x3FB4]  }
0x2d: {  	s3 =	simm.s32 $0x108;
	s8 =	sld [smem:$0x3FB5]  }
0x2e: {  	s3 =	simm.s32 @!p0 $0x1082;
	s9 =	sld [smem:$0x3FB6]  }
0x2f: {  	lr =	sadd.s32 s0, s3;
	s0 =	sld [smem:$0x3FAD]  }
0x30: {  	s3 =	sld [smem:$0x3FB0]  }
0x31: {  	[smem:$0x3FB9] =	sst s10  }
0x32: {  	s10 =	sld [smem:$0x3FB7];
	_ =	sdelay $0x3  }
0x33: {  	p0 =	seq.s32 s10, $0x1;
	s10 =	sld [smem:$0x3FB9];
	_ =	sdelay $0x3  }
0x34: {  	[smem:$0x3FB9] =	sst s10  }
0x35: {  	s10 =	sld [smem:$0x3FB8];
	_ =	sdelay $0x3  }
0x36: {  	p1 =	seq.s32 s10, $0x1;
	s10 =	sld [smem:$0x3FB9];
	_ =	sdelay $0x3  }
0x37: {  	[smem:$0x3FB9] =	sst s10  }
0x38: {  	s10 =	sld [smem:$0x3FBA]  }
0x39: {  	_ = 	snop;
	(pc) =	sbr.ind lr, $3  }
0x3a: {  	_ = 	snop  }
0x3b: {  	_ = 	snop  }
0x3c: {  	p2 =	seq.s32 s10, $0x1;
	s10 =	sld [smem:$0x3FB9]  }
0x3d: {  	_ =	shalt  }
0x3e: {  	_ =	shalt  }
0x3f: {  	_ =	shalt  }
0x40: {  	_ =	shalt  }
0x41: {  	_ =	shalt  }
0x42: {  	_ =	shalt  }
0x43: {  	_ =	shalt  }
0x44: {  	_ =	shalt  }
0x45: {  	_ =	shalt  }
0x46: {  	_ =	shalt  }
0x47: {  	_ =	shalt  }
0x48: {  	_ =	shalt  }
0x49: {  	_ =	shalt  }
0x4a: {  	_ =	shalt  }
0x4b: {  	_ =	shalt  }
0x4c: {  	_ =	shalt  }
0x4d: {  	_ =	shalt  }
0x4e: {  	_ =	shalt  }
0x4f: {  	_ =	shalt  }
0x50: {  	_ =	shalt  }
0x51: {  	_ =	shalt  }
0x52: {  	_ =	shalt  }
0x53: {  	_ =	shalt  }
0x54: {  	_ =	shalt  }
0x55: {  	_ =	shalt  }
0x56: {  	_ =	shalt  }
0x57: {  	_ =	shalt  }
0x58: {  	_ =	shalt  }
0x59: {  	_ =	shalt  }
0x5a: {  	_ =	shalt  }
0x5b: {  	_ =	shalt  }
0x5c: {  	_ =	shalt  }
0x5d: {  	_ =	shalt  }
0x5e: {  	_ =	shalt  }
0x5f: {  	_ =	shalt  }
0x60: {  	_ =	shalt  }
0x61: {  	_ =	shalt  }
0x62: {  	_ =	shalt  }
0x63: {  	_ =	shalt  }
0x64: {  	_ =	shalt  }
0x65: {  	_ =	shalt  }
0x66: {  	_ =	shalt  }
0x67: {  	_ =	shalt  }
0x68: {  	_ =	shalt  }
0x69: {  	_ =	shalt  }
0x6a: {  	_ =	shalt  }
0x6b: {  	_ =	shalt  }
0x6c: {  	_ =	shalt  }
0x6d: {  	_ =	shalt  }
0x6e: {  	_ =	shalt  }
0x6f: {  	_ =	shalt  }
0x70: {  	_ =	shalt  }
0x71: {  	_ =	shalt  }
0x72: {  	_ =	shalt  }
0x73: {  	_ =	shalt  }
0x74: {  	_ =	shalt  }
0x75: {  	_ =	shalt  }
0x76: {  	_ =	shalt  }
0x77: {  	_ =	shalt  }
0x78: {  	_ =	shalt  }
0x79: {  	_ =	shalt  }
0x7a: {  	_ =	shalt  }
0x7b: {  	_ =	shalt  }
0x7c: {  	_ =	shalt  }
0x7d: {  	_ =	shalt  }
0x7e: {  	_ =	shalt  }
0x7f: {  	_ =	shalt  }
0x80: {  	_ =	shalt  }
0x81: {  	_ =	shalt  }
0x82: {  	_ =	shalt  }
0x83: {  	_ =	shalt  }
0x84: {  	_ =	shalt  }
0x85: {  	_ =	shalt  }
0x86: {  	_ =	shalt  }
0x87: {  	_ =	shalt  }
.Lfunc_end0:
.L_simem_size_0:
called_computation_lowered:
.L_overlay_start_0:
0x88: {  	s2 =	sld [smem:$0x3FD9]  }
0x89: {  	s3 =	sld [smem:$0x3FFE];
	_ =	sdelay $0x1  }
0x8a: {  	s1 =	srdreg.scid  }
0x8b: {  	s0 =	sand.u32 $0x1, s1  }
0x8c: {  	s15 =	sshll.u32 s0, $0xA;
	s2 =	sadd.s32 s3, s2  }
0x8d: {  	s2 =	sadd.s32 s2, s15  }
0x8e: {  	[smem:$0x3FC5] =	sst s2  }
0x8f: {  	_ = 	snop  }
0x90: {  	s2 =	sld [smem:$0x3FD0]  }
0x91: {  	s16 =	sld [smem:$0x3FC9]  }
0x92: {  	s4 =	sld [smem:$0x3FC8]  }
0x93: {  	s6 =	simm.s32 $0xA;
	s7 =	simm.s32 $0x10;
	s5 =	sld [smem:$0x3FC7]  }
0x94: {  	[smem:s7], [sflag:s6] =	dma.local [hbm:s2], $0x1  }
0x95: {  	_ =	swait.eq [sflag:s6], $0x1  }
0x96: {  	[sflag:s6] =	ssyncset.done $0x0  }
0x97: {  	s17 =	sld [smem:$0x10];
	[sflag:s6] =	ssyncadd.s32 $0xFFFFFFFF  }
0x98: {  	s18 =	sld [smem:$0x11];
	(tm) =	ssettm $0x1  }
0x99: {  	s19 =	sld [smem:$0x3FFB];
	_ =	sdelay $0x3  }
0x9a: {  	_ =	strace s19  }
0x9b: {  	s7 =	sld [smem:$0x3FFC];
	_ =	sdelay $0x3  }
0x9c: {  	_ =	strace s7  }
0x9d: {  	s7 =	sld [smem:$0x3FFD];
	_ =	sdelay $0x3  }
0x9e: {  	_ =	strace s7  }
0x9f: {  	_ =	strace $0x8FFFFFFF  }
0xa0: {  	s20 =	sld [smem:$0x3FDB];
	_ =	sdelay $0x1  }
0xa1: {  	s8 =	simm.s32 $_scs_section_size  }
0xa2: {  	s9 =	simm.s32 $_size__tile_overlayer_lowered;
	s10 =	simm.s32 $_tile_overlayer_lowered  }
0xa3: {  	s23 =	simm.s32 $0x1BFF;
	s22 =	sshll.u32 s10, $0x1;
	s7 =	sadd.s32 s8, s20  }
0xa4: {  	s11 =	simm.s32 $0x0;
	s21 =	sshll.u32 s9, $0x1;
	s9 =	sadd.s32 s22, s7  }
0xa5: {  	[timem:s11], [sflag:s23] =	dma.local [hbm:s9], s21  }
0xa6: {  	_ =	swait.ge [sflag:s23], s21  }
0xa7: {  	s8 =	ssub.s32 $0x0, s21;
	[sflag:s23] =	ssyncset.done $0x0  }
0xa8: {  	[sflag:s23] =	ssyncadd.s32 s8;
	_ =	sdelay $0x1  }
0xa9: {  	s24 =	simm.s32 $0x1B8B  }
0xaa: {  	_ =	swait.ge [sflag:s24], $0x1  }
0xab: {  	[sflag:s24] =	ssyncset.done $0x0  }
0xac: {  	s25 =	simm.s32 $0x1B8E;
	[sflag:s24] =	ssyncadd.s32 $0xFFFFFFFF  }
0xad: {  	s26 =	simm.s32 $execute0_lowered;
	[smem:$0x3FD2] =	sst s25  }
0xae: {  	s8 =	sshll.u32 s26, $0x1;
	_ =	strace $0x80000046;
	[dreg:$0x1] =	wrdreg $0xFFFFFFFF  }
0xaf: {  	s28 =	simm.s32 $_size_execute0_lowered;
	s7 =	sadd.s32 s7, s8;
	[dreg:$0x0] =	wrdreg $0x0  }
0xb0: {  	s8 =	sshll.u32 s28, $0x1;
	[dreg:$0x2] =	wrdreg s7  }
0xb1: {  	[dreg:$0x3] =	wrdreg s8  }
0xb2: {  	[dreg:$0x4] =	wrdreg $0xC0  }
0xb3: {  	_ =	task [dreg:s11], $0x5FFFF  }
0xb4: {  	[dreg:$0x1] =	wrdreg $0xFFFFFFFF  }
0xb5: {  	[dreg:$0x0] =	wrdreg $0x60  }
0xb6: {  	[dreg:$0x2] =	wrdreg s16  }
0xb7: {  	[dreg:$0x3] =	wrdreg s4  }
0xb8: {  	[dreg:$0x4] =	wrdreg s5  }
0xb9: {  	[dreg:$0x5] =	wrdreg s17  }
0xba: {  	[dreg:$0x6] =	wrdreg s18  }
0xbb: {  	[dreg:$0x7] =	wrdreg $0x9  }
0xbc: {  	_ =	task.clear_ibuf [dreg:s11], $0x8FFFF;
	_ =	strace $0x90000046  }
0xbd: {  	s29 =	simm.s32 $0x9;
	_ =	strace $0x80000048  }
0xbe: {  	_ =	swait.ge [sflag:s29], $0x1  }
0xbf: {  	[sflag:s29] =	ssyncadd.s32 $0xFFFFFFFF  }
0xc0: {  	_ =	strace $0x90000048  }
0xc1: {  	_ =	sfence  }
0xc2: {  	s30 =	sld [smem:$0x0];
	_ =	sdelay $0x2  }
0xc3: {  	s31 =	sshll.u32 s1, $0xD;
	s1 =	sshrl.u32 s1, $0x2  }
0xc4: {  	s3 =	sand.u32 $0x4000, s31;
	s1 =	sadd.s32 s1, s30  }
0xc5: {  	s0 =	sor.u32 s3, s0;
	s1 =	sshll.u32 s1, $0x11  }
0xc6: {  	s0 =	sor.u32 s1, s0  }
0xc7: {  	s0 =	sadd.s32 $0x8F2B, s0  }
0xc8: {  	[sflag:s0] =	ssyncadd.remote.s32 $0x1  }
0xc9: {  	_ =	sfence.sel $0xFFFF  }
0xca: {  	[dreg:$0x0] =	wrdreg $0xFFFFFFFF;
	(pc) =	sbr.abs _section_cstart, $3  }
0xcb: {  	[dreg:$0x1] =	wrdreg $0xFFFFFFFF  }
0xcc: {  	_ =	task.clear_ibuf [dreg:s11], $0x2FFFF;
	_ =	strace $0x9FFFFFFF  }
0xcd: {  	(tm) =	ssettm $0x7FFFFFFF  }
tec
execute0_lowered:
.L_overlay_start_1:
0x0: {  	(tag) =	ssettag $0x1  }
0x1: {  	s1 =	rddreg [dreg:$0x0]  }
0x2: {  	s2 =	rddreg [dreg:$0x1]  }
0x3: {  	s5 =	rddreg [dreg:$0x2]  }
0x4: {  	s6 =	rddreg [dreg:$0x3]  }
0x5: {  	s7 =	rddreg [dreg:$0x4]  }
0x6: {  	s0 =	rddreg [dreg:$0x5];
	s8 =	srdreg.scid  }
0x7: {  	s4 =	simm.s32 $0x0;
	s3 =	stileid.u32;
	s12 =	simm.s32 $0xA00  }
0x8: {  	s13 =	simm.s32 $0x2;
	s14 =	simm.s32 $0xC00;
	s8 =	sand.u32 $0x1, s8  }
0x9: {  	s10 =	sshll.u32 s3, $0x7;
	[smem:$0x7FF] =	sst s4;
	s9 =	ssub.s32 $0x2, s8  }
0xa: {  	s8 =	sshll.u32 s8, $0x6;
	_ =	strace $0x80000047;
	s11 =	sshrl.u32 s9, $0x1  }
0xb: {  	s8 =	sor.u32 s8, s10;
	s10 =	simm.s32 $0x400;
	s9 =	ssub.s32 s9, s11  }
0xc: {  	s5 =	sadd.s32 s5, s8;
	s6 =	sadd.s32 s6, s8;
	s7 =	sadd.s32 s7, s8  }
0xd: {  	s11 =	simm.s32 $0x1;
	s8 =	smax.u32 s9, $0x1;
	s9 =	simm.s32 $0x800  }
.LBB2_1:
0xe: {  	[tilespmem:s4], [sflag:$0x1] =	stream.linear.gather [hbm4b:s1+s4], $0x400, $0x38;
	[tilespmem:$0xE00] =	vst v63  }
0xf: {  	_ = 	snop  }
0x10: {  	[tilespmem:s9], [sflag:$0x1] =	stream.linear.gather [hbm4b:s5+s4], $0x200, $0x38;
	[tilespmem:$0xE00] =	vst v63  }
0x11: {  	_ = 	snop  }
0x12: {  	[tilespmem:s10], [sflag:$0x2] =	stream.linear.gather [hbm4b:s2+s4], $0x400, $0x38;
	[tilespmem:$0xE00] =	vst v63  }
0x13: {  	_ =	swait.ge [sflag:s11], $0x400  }
0x14: {  	[sflag:s11] =	ssyncset.done $0x0  }
0x15: {  	[sflag:s11] =	ssyncadd.s32 $0xFFFFFC00  }
0x16: {  	_ =	swait.ge [sflag:s11], $0x200  }
0x17: {  	[sflag:s11] =	ssyncset.done $0x0  }
0x18: {  	[sflag:s11] =	ssyncadd.s32 $0xFFFFFE00  }
0x19: {  	v0 =	vld [tilespmem:$0x800];
	_ =	sdelay $0x5  }
0x1a: {  	v1 =	vld [tilespmem:$0x810];
	_ =	sdelay $0x1  }
0x1b: {  	v0 =	vld.idx.msk [tilespmem:v0+s4+$0x0], $0xffff;
	_ =	sdelay $0x3  }
0x1c: {  	v2 =	vld [tilespmem:$0x820]  }
0x1d: {  	[tilespmem:$0xA00] =	vst v0  }
0x1e: {  	v0 =	vld.idx.msk [tilespmem:v1+s4+$0x0], $0xffff;
	_ =	sdelay $0x3  }
0x1f: {  	v63 =	vld [tilespmem:$0x830]  }
0x20: {  	[tilespmem:$0xA10] =	vst v0  }
0x21: {  	v0 =	vld.idx.msk [tilespmem:v2+s4+$0x0], $0xffff;
	_ =	sdelay $0x3  }
0x22: {  	v4 =	vld [tilespmem:$0x840]  }
0x23: {  	[tilespmem:$0xA20] =	vst v0  }
0x24: {  	v0 =	vld.idx.msk [tilespmem:v63+s4+$0x0], $0xffff;
	_ =	sdelay $0x3  }
0x25: {  	v5 =	vld [tilespmem:$0x850]  }
0x26: {  	[tilespmem:$0xA30] =	vst v0  }
0x27: {  	v0 =	vld.idx.msk [tilespmem:v4+s4+$0x0], $0xffff;
	_ =	sdelay $0x3  }
0x28: {  	v6 =	vld [tilespmem:$0x860]  }
0x29: {  	[tilespmem:$0xA40] =	vst v0  }
0x2a: {  	v0 =	vld.idx.msk [tilespmem:v5+s4+$0x0], $0xffff;
	_ =	sdelay $0x3  }
0x2b: {  	v7 =	vld [tilespmem:$0x870]  }
0x2c: {  	[tilespmem:$0xA50] =	vst v0  }
0x2d: {  	v0 =	vld.idx.msk [tilespmem:v6+s4+$0x0], $0xffff;
	_ =	sdelay $0x3  }
0x2e: {  	v8 =	vld [tilespmem:$0x880]  }
0x2f: {  	[tilespmem:$0xA60] =	vst v0  }
0x30: {  	v0 =	vld.idx.msk [tilespmem:v7+s4+$0x0], $0xffff;
	_ =	sdelay $0x3  }
0x31: {  	v9 =	vld [tilespmem:$0x890]  }
0x32: {  	[tilespmem:$0xA70] =	vst v0  }
0x33: {  	v0 =	vld.idx.msk [tilespmem:v8+s4+$0x0], $0xffff;
	_ =	sdelay $0x3  }
0x34: {  	v10 =	vld [tilespmem:$0x8A0]  }
0x35: {  	[tilespmem:$0xA80] =	vst v0  }
0x36: {  	v0 =	vld.idx.msk [tilespmem:v9+s4+$0x0], $0xffff;
	_ =	sdelay $0x3  }
0x37: {  	v11 =	vld [tilespmem:$0x8B0]  }
0x38: {  	[tilespmem:$0xA90] =	vst v0  }
0x39: {  	v0 =	vld.idx.msk [tilespmem:v10+s4+$0x0], $0xffff;
	_ =	sdelay $0x3  }
0x3a: {  	v12 =	vld [tilespmem:$0x8C0]  }
0x3b: {  	[tilespmem:$0xAA0] =	vst v0  }
0x3c: {  	v0 =	vld.idx.msk [tilespmem:v11+s4+$0x0], $0xffff;
	_ =	sdelay $0x3  }
0x3d: {  	v13 =	vld [tilespmem:$0x8D0]  }
0x3e: {  	[tilespmem:$0xAB0] =	vst v0  }
0x3f: {  	v0 =	vld.idx.msk [tilespmem:v12+s4+$0x0], $0xffff;
	_ =	sdelay $0x3  }
0x40: {  	v14 =	vld [tilespmem:$0x8E0]  }
0x41: {  	[tilespmem:$0xAC0] =	vst v0  }
0x42: {  	v0 =	vld.idx.msk [tilespmem:v13+s4+$0x0], $0xffff;
	_ =	sdelay $0x3  }
0x43: {  	v15 =	vld [tilespmem:$0x8F0]  }
0x44: {  	[tilespmem:$0xAD0] =	vst v0  }
0x45: {  	v0 =	vld.idx.msk [tilespmem:v14+s4+$0x0], $0xffff;
	_ =	sdelay $0x3  }
0x46: {  	v16 =	vld [tilespmem:$0x900]  }
0x47: {  	[tilespmem:$0xAE0] =	vst v0  }
0x48: {  	v0 =	vld.idx.msk [tilespmem:v15+s4+$0x0], $0xffff;
	_ =	sdelay $0x3  }
0x49: {  	v17 =	vld [tilespmem:$0x910]  }
0x4a: {  	[tilespmem:$0xAF0] =	vst v0  }
0x4b: {  	v0 =	vld.idx.msk [tilespmem:v16+s4+$0x0], $0xffff;
	_ =	sdelay $0x3  }
0x4c: {  	v18 =	vld [tilespmem:$0x920]  }
0x4d: {  	[tilespmem:$0xB00] =	vst v0  }
0x4e: {  	v0 =	vld.idx.msk [tilespmem:v17+s4+$0x0], $0xffff;
	_ =	sdelay $0x3  }
0x4f: {  	v19 =	vld [tilespmem:$0x930]  }
0x50: {  	[tilespmem:$0xB10] =	vst v0  }
0x51: {  	v0 =	vld.idx.msk [tilespmem:v18+s4+$0x0], $0xffff;
	_ =	sdelay $0x3  }
0x52: {  	v20 =	vld [tilespmem:$0x940]  }
0x53: {  	[tilespmem:$0xB20] =	vst v0  }
0x54: {  	v0 =	vld.idx.msk [tilespmem:v19+s4+$0x0], $0xffff;
	_ =	sdelay $0x3  }
0x55: {  	v21 =	vld [tilespmem:$0x950]  }
0x56: {  	[tilespmem:$0xB30] =	vst v0  }
0x57: {  	v0 =	vld.idx.msk [tilespmem:v20+s4+$0x0], $0xffff;
	_ =	sdelay $0x3  }
0x58: {  	v22 =	vld [tilespmem:$0x960]  }
0x59: {  	[tilespmem:$0xB40] =	vst v0  }
0x5a: {  	v0 =	vld.idx.msk [tilespmem:v21+s4+$0x0], $0xffff;
	_ =	sdelay $0x3  }
0x5b: {  	v23 =	vld [tilespmem:$0x970]  }
0x5c: {  	[tilespmem:$0xB50] =	vst v0  }
0x5d: {  	v0 =	vld.idx.msk [tilespmem:v22+s4+$0x0], $0xffff;
	_ =	sdelay $0x3  }
0x5e: {  	v24 =	vld [tilespmem:$0x980]  }
0x5f: {  	[tilespmem:$0xB60] =	vst v0  }
0x60: {  	v0 =	vld.idx.msk [tilespmem:v23+s4+$0x0], $0xffff;
	_ =	sdelay $0x3  }
0x61: {  	v25 =	vld [tilespmem:$0x990]  }
0x62: {  	[tilespmem:$0xB70] =	vst v0  }
0x63: {  	v0 =	vld.idx.msk [tilespmem:v24+s4+$0x0], $0xffff;
	_ =	sdelay $0x3  }
0x64: {  	v26 =	vld [tilespmem:$0x9A0]  }
0x65: {  	[tilespmem:$0xB80] =	vst v0  }
0x66: {  	v0 =	vld.idx.msk [tilespmem:v25+s4+$0x0], $0xffff;
	_ =	sdelay $0x3  }
0x67: {  	v27 =	vld [tilespmem:$0x9B0]  }
0x68: {  	[tilespmem:$0xB90] =	vst v0  }
0x69: {  	v0 =	vld.idx.msk [tilespmem:v26+s4+$0x0], $0xffff;
	_ =	sdelay $0x3  }
0x6a: {  	v28 =	vld [tilespmem:$0x9C0]  }
0x6b: {  	[tilespmem:$0xBA0] =	vst v0  }
0x6c: {  	v0 =	vld.idx.msk [tilespmem:v27+s4+$0x0], $0xffff;
	_ =	sdelay $0x3  }
0x6d: {  	v29 =	vld [tilespmem:$0x9D0]  }
0x6e: {  	[tilespmem:$0xBB0] =	vst v0  }
0x6f: {  	v0 =	vld.idx.msk [tilespmem:v28+s4+$0x0], $0xffff;
	_ =	sdelay $0x3  }
0x70: {  	v30 =	vld [tilespmem:$0x9E0]  }
0x71: {  	[tilespmem:$0xBC0] =	vst v0  }
0x72: {  	v0 =	vld.idx.msk [tilespmem:v29+s4+$0x0], $0xffff;
	_ =	sdelay $0x3  }
0x73: {  	v31 =	vld [tilespmem:$0x9F0]  }
0x74: {  	[tilespmem:$0xBD0] =	vst v0  }
0x75: {  	v0 =	vld.idx.msk [tilespmem:v30+s4+$0x0], $0xffff;
	_ =	sdelay $0x4  }
0x76: {  	[tilespmem:$0xBE0] =	vst v0  }
0x77: {  	v0 =	vld.idx.msk [tilespmem:v31+s4+$0x0], $0xffff;
	_ =	sdelay $0x4  }
0x78: {  	[tilespmem:$0xBF0] =	vst v0  }
0x79: {  	[hbm4b:s6+s4] =	stream.linear.scatter [tilespmem:s12], [sflag:$0x1], $0x200, $0x38;
	[tilespmem:$0xE00] =	vst v63  }
0x7a: {  	_ =	swait.ge [sflag:s13], $0x400  }
0x7b: {  	[sflag:s13] =	ssyncset.done $0x0  }
0x7c: {  	[sflag:s13] =	ssyncadd.s32 $0xFFFFFC00  }
0x7d: {  	v32 =	vld [tilespmem:$0x800];
	_ =	sdelay $0x5  }
0x7e: {  	v33 =	vld [tilespmem:$0x810];
	_ =	sdelay $0x1  }
0x7f: {  	v0 =	vld.idx.msk [tilespmem:v32+s10+$0x0], $0xffff;
	_ =	sdelay $0x3  }
0x80: {  	v34 =	vld [tilespmem:$0x820]  }
0x81: {  	[tilespmem:$0xC00] =	vst v0  }
0x82: {  	v0 =	vld.idx.msk [tilespmem:v33+s10+$0x0], $0xffff;
	_ =	sdelay $0x3  }
0x83: {  	v35 =	vld [tilespmem:$0x830]  }
0x84: {  	[tilespmem:$0xC10] =	vst v0  }
0x85: {  	v0 =	vld.idx.msk [tilespmem:v34+s10+$0x0], $0xffff;
	_ =	sdelay $0x3  }
0x86: {  	v36 =	vld [tilespmem:$0x840]  }
0x87: {  	[tilespmem:$0xC20] =	vst v0  }
0x88: {  	v0 =	vld.idx.msk [tilespmem:v35+s10+$0x0], $0xffff;
	_ =	sdelay $0x3  }
0x89: {  	v37 =	vld [tilespmem:$0x850]  }
0x8a: {  	[tilespmem:$0xC30] =	vst v0  }
0x8b: {  	v0 =	vld.idx.msk [tilespmem:v36+s10+$0x0], $0xffff;
	_ =	sdelay $0x3  }
0x8c: {  	v38 =	vld [tilespmem:$0x860]  }
0x8d: {  	[tilespmem:$0xC40] =	vst v0  }
0x8e: {  	v0 =	vld.idx.msk [tilespmem:v37+s10+$0x0], $0xffff;
	_ =	sdelay $0x3  }
0x8f: {  	v39 =	vld [tilespmem:$0x870]  }
0x90: {  	[tilespmem:$0xC50] =	vst v0  }
0x91: {  	v0 =	vld.idx.msk [tilespmem:v38+s10+$0x0], $0xffff;
	_ =	sdelay $0x3  }
0x92: {  	v40 =	vld [tilespmem:$0x880]  }
0x93: {  	[tilespmem:$0xC60] =	vst v0  }
0x94: {  	v0 =	vld.idx.msk [tilespmem:v39+s10+$0x0], $0xffff;
	_ =	sdelay $0x3  }
0x95: {  	v41 =	vld [tilespmem:$0x890]  }
0x96: {  	[tilespmem:$0xC70] =	vst v0  }
0x97: {  	v0 =	vld.idx.msk [tilespmem:v40+s10+$0x0], $0xffff;
	_ =	sdelay $0x3  }
0x98: {  	v42 =	vld [tilespmem:$0x8A0]  }
0x99: {  	[tilespmem:$0xC80] =	vst v0  }
0x9a: {  	v0 =	vld.idx.msk [tilespmem:v41+s10+$0x0], $0xffff;
	_ =	sdelay $0x3  }
0x9b: {  	v43 =	vld [tilespmem:$0x8B0]  }
0x9c: {  	[tilespmem:$0xC90] =	vst v0  }
0x9d: {  	v0 =	vld.idx.msk [tilespmem:v42+s10+$0x0], $0xffff;
	_ =	sdelay $0x3  }
0x9e: {  	v44 =	vld [tilespmem:$0x8C0]  }
0x9f: {  	[tilespmem:$0xCA0] =	vst v0  }
0xa0: {  	v0 =	vld.idx.msk [tilespmem:v43+s10+$0x0], $0xffff;
	_ =	sdelay $0x3  }
0xa1: {  	v45 =	vld [tilespmem:$0x8D0]  }
0xa2: {  	[tilespmem:$0xCB0] =	vst v0  }
0xa3: {  	v0 =	vld.idx.msk [tilespmem:v44+s10+$0x0], $0xffff;
	_ =	sdelay $0x3  }
0xa4: {  	v46 =	vld [tilespmem:$0x8E0]  }
0xa5: {  	[tilespmem:$0xCC0] =	vst v0  }
0xa6: {  	v0 =	vld.idx.msk [tilespmem:v45+s10+$0x0], $0xffff;
	_ =	sdelay $0x3  }
0xa7: {  	v47 =	vld [tilespmem:$0x8F0]  }
0xa8: {  	[tilespmem:$0xCD0] =	vst v0  }
0xa9: {  	v0 =	vld.idx.msk [tilespmem:v46+s10+$0x0], $0xffff;
	_ =	sdelay $0x3  }
0xaa: {  	v48 =	vld [tilespmem:$0x900]  }
0xab: {  	[tilespmem:$0xCE0] =	vst v0  }
0xac: {  	v0 =	vld.idx.msk [tilespmem:v47+s10+$0x0], $0xffff;
	_ =	sdelay $0x3  }
0xad: {  	v49 =	vld [tilespmem:$0x910]  }
0xae: {  	[tilespmem:$0xCF0] =	vst v0  }
0xaf: {  	v0 =	vld.idx.msk [tilespmem:v48+s10+$0x0], $0xffff;
	_ =	sdelay $0x3  }
0xb0: {  	v50 =	vld [tilespmem:$0x920]  }
0xb1: {  	[tilespmem:$0xD00] =	vst v0  }
0xb2: {  	v0 =	vld.idx.msk [tilespmem:v49+s10+$0x0], $0xffff;
	_ =	sdelay $0x3  }
0xb3: {  	v51 =	vld [tilespmem:$0x930]  }
0xb4: {  	[tilespmem:$0xD10] =	vst v0  }
0xb5: {  	v0 =	vld.idx.msk [tilespmem:v50+s10+$0x0], $0xffff;
	_ =	sdelay $0x3  }
0xb6: {  	v52 =	vld [tilespmem:$0x940]  }
0xb7: {  	[tilespmem:$0xD20] =	vst v0  }
0xb8: {  	v0 =	vld.idx.msk [tilespmem:v51+s10+$0x0], $0xffff;
	_ =	sdelay $0x3  }
0xb9: {  	v53 =	vld [tilespmem:$0x950]  }
0xba: {  	[tilespmem:$0xD30] =	vst v0  }
0xbb: {  	v0 =	vld.idx.msk [tilespmem:v52+s10+$0x0], $0xffff;
	_ =	sdelay $0x3  }
0xbc: {  	v54 =	vld [tilespmem:$0x960]  }
0xbd: {  	[tilespmem:$0xD40] =	vst v0  }
0xbe: {  	v0 =	vld.idx.msk [tilespmem:v53+s10+$0x0], $0xffff;
	_ =	sdelay $0x3  }
0xbf: {  	v55 =	vld [tilespmem:$0x970]  }
0xc0: {  	[tilespmem:$0xD50] =	vst v0  }
0xc1: {  	v0 =	vld.idx.msk [tilespmem:v54+s10+$0x0], $0xffff;
	_ =	sdelay $0x3  }
0xc2: {  	v56 =	vld [tilespmem:$0x980]  }
0xc3: {  	[tilespmem:$0xD60] =	vst v0  }
0xc4: {  	v0 =	vld.idx.msk [tilespmem:v55+s10+$0x0], $0xffff;
	_ =	sdelay $0x3  }
0xc5: {  	v57 =	vld [tilespmem:$0x990]  }
0xc6: {  	[tilespmem:$0xD70] =	vst v0  }
0xc7: {  	v0 =	vld.idx.msk [tilespmem:v56+s10+$0x0], $0xffff;
	_ =	sdelay $0x3  }
0xc8: {  	v58 =	vld [tilespmem:$0x9A0]  }
0xc9: {  	[tilespmem:$0xD80] =	vst v0  }
0xca: {  	v0 =	vld.idx.msk [tilespmem:v57+s10+$0x0], $0xffff;
	_ =	sdelay $0x3  }
0xcb: {  	v59 =	vld [tilespmem:$0x9B0]  }
0xcc: {  	[tilespmem:$0xD90] =	vst v0  }
0xcd: {  	v0 =	vld.idx.msk [tilespmem:v58+s10+$0x0], $0xffff;
	_ =	sdelay $0x3  }
0xce: {  	v60 =	vld [tilespmem:$0x9C0]  }
0xcf: {  	[tilespmem:$0xDA0] =	vst v0  }
0xd0: {  	v0 =	vld.idx.msk [tilespmem:v59+s10+$0x0], $0xffff;
	_ =	sdelay $0x3  }
0xd1: {  	v61 =	vld [tilespmem:$0x9D0]  }
0xd2: {  	[tilespmem:$0xDB0] =	vst v0  }
0xd3: {  	v0 =	vld.idx.msk [tilespmem:v60+s10+$0x0], $0xffff;
	_ =	sdelay $0x3  }
0xd4: {  	v62 =	vld [tilespmem:$0x9E0]  }
0xd5: {  	[tilespmem:$0xDC0] =	vst v0  }
0xd6: {  	v0 =	vld.idx.msk [tilespmem:v61+s10+$0x0], $0xffff;
	_ =	sdelay $0x3  }
0xd7: {  	v63 =	vld [tilespmem:$0x9F0]  }
0xd8: {  	[tilespmem:$0xDD0] =	vst v0  }
0xd9: {  	v0 =	vld.idx.msk [tilespmem:v62+s10+$0x0], $0xffff;
	_ =	sdelay $0x4  }
0xda: {  	[tilespmem:$0xDE0] =	vst v0  }
0xdb: {  	v0 =	vld.idx.msk [tilespmem:v63+s10+$0x0], $0xffff;
	_ =	sdelay $0x4  }
0xdc: {  	[tilespmem:$0xDF0] =	vst v0  }
0xdd: {  	[hbm4b:s7+s4] =	stream.linear.scatter [tilespmem:s14], [sflag:$0x2], $0x200, $0x38;
	[tilespmem:$0xE00] =	vst v63  }
0xde: {  	p0 =	sne.s32 s8, $0x1;
	_ =	swait.ge [sflag:s11], $0x200  }
.Ltmp0:
0xdf: {  	[sflag:s11] =	ssyncset.done $0x0;
	(pc) =	sbr.rel @p0 .LBB2_1-.Ltmp0, $4  }
0xe0: {  	[sflag:s11] =	ssyncadd.s32 $0xFFFFFE00  }
0xe1: {  	_ =	swait.ge [sflag:s13], $0x200  }
0xe2: {  	[sflag:s13] =	ssyncset.done $0x0  }
0xe3: {  	s8 =	sadd.s32 $0xFFFFFFFF, s8;
	[sflag:s13] =	ssyncadd.s32 $0xFFFFFE00  }
0xe4: {  	_ =	sfence.sel $0x180000  }
0xe5: {  	[bflag:$0x0] =	sbarrier.arrive $0xFFFF  }
0xe6: {  	p0 =	sne.s32 s3, $0x0;
	_ =	strace $0x90000047  }
0xe7: {  	s0 =	sadd.s32 @!p0 $0x100000, s0;
	[bflag:$0x2] =	sbarrier.arrive $0xFFFF  }
0xe8: {  	[sflag:s0] =	ssyncadd.tile.s32 @!p0 $0x1;
	_ =	shalt  }
.Lfunc_end2:
_tile_overlayer_lowered:
.L_overlay_start_2:
0xe9: {  	(tag) =	ssettag $0x2  }
0xea: {  	s0 =	rddreg [dreg:$0x0];
	s2 =	stileid.u32  }
0xeb: {  	s1 =	rddreg [dreg:$0x1];
	p0 =	sne.s32 s2, $0x0  }
0xec: {  	s3 =	rddreg [dreg:$0x2];
	[bflag:$0x3] =	sbarrier.arrive $0xFFFF;
	s2 =	simm.s32 @!p0 $0x1C03  }
0xed: {  	[timem:s3], [sflag:s2] =	dma.local @!p0 [hbm:s0], s1  }
0xee: {  	s0 =	simm.s32 @!p0 $0x3  }
0xef: {  	_ =	swait.ge @!p0 [sflag:s0], s1  }
0xf0: {  	s1 =	ssub.s32 @!p0 $0x0, s1;
	[sflag:s0] =	ssyncset.done @!p0 $0x0  }
0xf1: {  	[sflag:s0] =	ssyncadd.s32 @!p0 s1  }
0xf2: {  	[bflag:$0x3] =	sbarrier.arrive $0xFFFF  }
0xf3: {  	_ =	shalt  }

</sc_bundles>
